<compile_context>
chip_gen: v7x
topology: tpu7x:2x2x1
jax: 0.10.2.dev20260603
libtpu: 0.0.44.dev20260713+nightly
codegen_flags: <defaults>
</compile_context>

<pallas_src>
import functools

import jax
import jax.numpy as jnp
from jax import lax
from jax.experimental import pallas as pl
from jax.experimental.pallas import tpu as pltpu
from jax.experimental.pallas import tpu_sc as plsc

N = 10000
E = 320000
D_IN = 128
H = 64
OUT = 32

NW = 32
LN = 128
GS = 3
NG0 = 31
NG1 = 23
K0 = NG0 * GS
K1 = NG1 * GS
TOTCH = 16 * (K0 + K1)
E_PAD = TOTCH * LN
N_PAD = 10112
RPT = N_PAD // 16

_mesh = plsc.VectorSubcoreMesh(core_axis_name="c", subcore_axis_name="s")


@functools.partial(
    pl.kernel,
    mesh=_mesh,
    compiler_params=pltpu.CompilerParams(use_tc_tiling_on_sc=False),
    out_type=jax.ShapeDtypeStruct((2, N_PAD, H), jnp.float32),
    scratch_types=[
        pltpu.VMEM((K0, LN), jnp.int32),
        pltpu.VMEM((K0, LN), jnp.int32),
        pltpu.VMEM((GS, LN, H), jnp.float32),
        pltpu.VMEM_SHARED((N_PAD, H), jnp.float32),
        pltpu.VMEM_SHARED((N_PAD, H), jnp.float32),
        pltpu.SemaphoreType.DMA((GS,)),
        pltpu.SemaphoreType.DMA,
    ],
)
def _segsum_sc(rows_hbm, src_hbm, dst_hbm, zeros_hbm, out_hbm,
               src_v, dst_v, buf_v, acc_sh, tbl_sh, gsem, ssem):
    c = lax.axis_index("c")
    s = lax.axis_index("s")

    def body(g, carry):
        base = g * GS
        gathers = [
            pltpu.async_copy(tbl_sh.at[src_v.at[base + b]], buf_v.at[b],
                             gsem.at[b])
            for b in range(GS)
        ]
        scatters = []
        for b in range(GS):
            gathers[b].wait()
            scatters.append(
                pltpu.async_copy(buf_v.at[b], acc_sh.at[dst_v.at[base + b]],
                                 ssem, add=True))
        for sc in scatters:
            sc.wait()
        return carry

    with jax.named_scope("segsum_stage"):
        wid = s * 2 + c
        stages = [
            pltpu.async_copy(rows_hbm.at[pl.ds(s * RPT, RPT)],
                             tbl_sh.at[pl.ds(s * RPT, RPT)], ssem),
            pltpu.async_copy(zeros_hbm.at[pl.ds(s * RPT, RPT)],
                             acc_sh.at[pl.ds(s * RPT, RPT)], ssem),
            pltpu.async_copy(src_hbm.at[wid], src_v, ssem),
            pltpu.async_copy(dst_hbm.at[wid], dst_v, ssem),
        ]
        for st in stages:
            st.wait()
        plsc.subcore_barrier()

    with jax.named_scope("segsum_edges"):
        @pl.when(c == 0)
        def _():
            lax.fori_loop(0, NG0, body, 0)

        @pl.when(c == 1)
        def _():
            lax.fori_loop(0, NG1, body, 0)

        plsc.subcore_barrier()

    with jax.named_scope("segsum_drain"):
        pltpu.sync_copy(acc_sh.at[pl.ds(s * RPT, RPT)],
                        out_hbm.at[c, pl.ds(s * RPT, RPT)])


def _mm_body(x_ref, w_ref, o_ref):
    o_ref[...] = jnp.dot(x_ref[...], w_ref[...],
                         preferred_element_type=jnp.float32)


def _mid_body(p_ref, w_ref, o_ref):
    m = p_ref[0] + p_ref[1]
    n = jnp.sqrt(jnp.sum(m * m, axis=1, keepdims=True))
    h = jnp.maximum(m / jnp.maximum(n, 1e-12), 0.0)
    o_ref[...] = jnp.dot(h, w_ref[...], preferred_element_type=jnp.float32)


def _head_body(p_ref, eps_ref, wm1_ref, bm1_ref, wm2_ref, bm2_ref,
               wl1_ref, bl1_ref, wl2_ref, bl2_ref, o_ref):
    m = p_ref[0] + p_ref[1]
    n = jnp.sqrt(jnp.sum(m * m, axis=1, keepdims=True))
    h = jnp.maximum(m / jnp.maximum(n, 1e-12), 0.0)
    t1 = jnp.tanh(jnp.dot(h, wm1_ref[...], preferred_element_type=jnp.float32)
                  + bm1_ref[...])
    mu = jnp.dot(t1, wm2_ref[...], preferred_element_type=jnp.float32) \
        + bm2_ref[...]
    t2 = jnp.tanh(jnp.dot(h, wl1_ref[...], preferred_element_type=jnp.float32)
                  + bl1_ref[...])
    ls = jnp.dot(t2, wl2_ref[...], preferred_element_type=jnp.float32) \
        + bl2_ref[...]
    ls = jnp.minimum(ls, 10.0)
    o_ref[...] = mu + eps_ref[...] * jnp.exp(ls)


_BM = 1000
_BMP = 632


def _tc_matmul(x, w):
    return pl.pallas_call(
        _mm_body,
        grid=(N_PAD // _BMP,),
        in_specs=[
            pl.BlockSpec((_BMP, x.shape[1]), lambda i: (i, 0)),
            pl.BlockSpec(w.shape, lambda i: (0, 0)),
        ],
        out_specs=pl.BlockSpec((_BMP, w.shape[1]), lambda i: (i, 0)),
        out_shape=jax.ShapeDtypeStruct((N_PAD, w.shape[1]), jnp.float32),
    )(x, w)


def _tc_mid(p, w):
    return pl.pallas_call(
        _mid_body,
        grid=(N_PAD // _BMP,),
        in_specs=[
            pl.BlockSpec((2, _BMP, H), lambda i: (0, i, 0)),
            pl.BlockSpec((H, H), lambda i: (0, 0)),
        ],
        out_specs=pl.BlockSpec((_BMP, H), lambda i: (i, 0)),
        out_shape=jax.ShapeDtypeStruct((N_PAD, H), jnp.float32),
    )(p, w)


def _tc_head(p, eps, wm1, bm1, wm2, bm2, wl1, bl1, wl2, bl2):
    full = lambda shape: pl.BlockSpec(shape, lambda i: tuple(0 for _ in shape))
    return pl.pallas_call(
        _head_body,
        grid=(N // _BM,),
        in_specs=[
            pl.BlockSpec((2, _BM, H), lambda i: (0, i, 0)),
            pl.BlockSpec((_BM, OUT), lambda i: (i, 0)),
            full(wm1.shape), full((1, OUT // 2)),
            full(wm2.shape), full((1, OUT)),
            full(wl1.shape), full((1, OUT // 2)),
            full(wl2.shape), full((1, OUT)),
        ],
        out_specs=pl.BlockSpec((_BM, OUT), lambda i: (i, 0)),
        out_shape=jax.ShapeDtypeStruct((N, OUT), jnp.float32),
    )(p, eps, wm1, bm1.reshape(1, -1), wm2, bm2.reshape(1, -1),
      wl1, bl1.reshape(1, -1), wl2, bl2.reshape(1, -1))


def kernel(x, edge_index, eps, W0, W1, Wm1, bm1, Wm2, bm2, Wl1, bl1, Wl2, bl2):
    src = edge_index[0].astype(jnp.int32)
    dst = edge_index[1].astype(jnp.int32)
    pad = E_PAD - E
    flat_src = jnp.concatenate([src, jnp.zeros((pad,), jnp.int32)])
    flat_dst = jnp.concatenate([dst, jnp.full((pad,), N, jnp.int32)])
    flat_src = flat_src.reshape(TOTCH, LN)
    flat_dst = flat_dst.reshape(TOTCH, LN)

    def _tile_rows(flat, fill):
        a = flat[:16 * K0].reshape(16, K0, LN)
        b = jnp.pad(flat[16 * K0:].reshape(16, K1, LN),
                    ((0, 0), (0, K0 - K1), (0, 0)), constant_values=fill)
        return jnp.stack([a, b], axis=1).reshape(NW, K0, LN)

    src_p = _tile_rows(flat_src, 0)
    dst_p = _tile_rows(flat_dst, N)
    zeros = jnp.zeros((N_PAD, H), jnp.float32)

    s0 = _tc_matmul(x, W0)
    p0 = _segsum_sc(s0, src_p, dst_p, zeros)
    s1 = _tc_mid(p0, W1)
    p1 = _segsum_sc(s1, src_p, dst_p, zeros)
    return _tc_head(p1, eps, Wm1, bm1, Wm2, bm2,
                    Wl1, bl1, Wl2, bl2)

# --- scband reference (transcript-rebuilt; emitter-appended) ---
"""Pipeline reference for scband-sparse-hetero-vgae-59399397704086 (READ-ONLY COPY).

The authoritative reference and input builder live on the scoring server;
editing this copy changes nothing except your own understanding.
"""

import jax, jax.numpy as jnp
import numpy as np

N = 10000
E = 320000
D_IN = 128
H = 64
OUT = 32


def _glorot(k, i, o):
    r = np.sqrt(6.0 / (i + o))
    return (jax.random.uniform(k, (i, o), dtype=jnp.float32) * 2.0 * r - r)


def setup_inputs(seed: int = 0) -> dict:
    key = jax.random.key(seed)
    ks = jax.random.split(key, 10)
    return {
        "x": jax.random.normal(ks[0], (N, D_IN), dtype=jnp.float32),
        "edge_index": jax.random.randint(ks[1], (2, E), 0, N),
        "eps": jax.random.normal(ks[2], (N, OUT), dtype=jnp.float32),
        "W0": _glorot(ks[3], D_IN, H),
        "W1": _glorot(ks[4], H, H),
        "Wm1": _glorot(ks[5], H, OUT // 2),
        "bm1": jnp.zeros((OUT // 2,), dtype=jnp.float32),
        "Wm2": _glorot(ks[6], OUT // 2, OUT),
        "bm2": jnp.zeros((OUT,), dtype=jnp.float32),
        "Wl1": _glorot(ks[7], H, OUT // 2),
        "bl1": jnp.zeros((OUT // 2,), dtype=jnp.float32),
        "Wl2": _glorot(ks[8], OUT // 2, OUT),
        "bl2": jnp.zeros((OUT,), dtype=jnp.float32),
    }


def _l2_normalize(x):
    # F.normalize(x, p=2, dim=1), eps=1e-12
    n = jnp.sqrt(jnp.sum(x * x, axis=1, keepdims=True))
    return x / jnp.maximum(n, 1e-12)


def reference(x, edge_index, eps, W0, W1, Wm1, bm1, Wm2, bm2, Wl1, bl1, Wl2, bl2):
    src = edge_index[0]
    dst = edge_index[1]

    # SparseGraphConv layer 0: src_out = x @ W; message = adj_t @ src_out (binary adj == scatter-add over dst)
    s0 = x @ W0
    m0 = jax.ops.segment_sum(s0[src], dst, num_segments=N)
    h = jax.nn.relu(_l2_normalize(m0))  # normalize=True then relu (dropout p=0)

    # SparseGraphConv layer 1
    s1 = h @ W1
    m1 = jax.ops.segment_sum(s1[src], dst, num_segments=N)
    h = jax.nn.relu(_l2_normalize(m1))

    # linear latent encoders: Linear -> Tanh -> Linear
    mu = jnp.tanh(h @ Wm1 + bm1) @ Wm2 + bm2
    logstd = jnp.tanh(h @ Wl1 + bl1) @ Wl2 + bl2
    logstd = jnp.minimum(logstd, 10.0)  # clamp(max=10)

    # reparameterize: z = mu + eps * exp(logstd)
    z = mu + eps * jnp.exp(logstd)
    return z

if __name__ == "__main__":
    import jax
    _d = setup_inputs()
    print(jax.jit(kernel)(*tuple(_d.values())))

</pallas_src>

<mosaic_0001>
#map = affine_map<(d0, d1) -> (0, 0)>
#map1 = affine_map<(d0, d1) -> (0, 0, 0)>
module attributes {stable_mosaic.version = 14 : i64} {
  func.func @_segsum_sc(%arg0: i32, %arg1: i32, %arg2: memref<10112x64xf32, #tpu.memory_space<hbm>>, %arg3: memref<32x93x128xi32, #tpu.memory_space<hbm>>, %arg4: memref<32x93x128xi32, #tpu.memory_space<hbm>>, %arg5: memref<10112x64xf32, #tpu.memory_space<hbm>>, %arg6: memref<2x10112x64xf32, #tpu.memory_space<hbm>>, %arg7: memref<93x128xi32, #tpu.memory_space<vmem>>, %arg8: memref<93x128xi32, #tpu.memory_space<vmem>>, %arg9: memref<3x128x64xf32, #tpu.memory_space<vmem>>, %arg10: memref<10112x64xf32, #tpu.memory_space<vmem_shared>>, %arg11: memref<10112x64xf32, #tpu.memory_space<vmem_shared>>, %arg12: memref<3x!tpu.dma_semaphore, #tpu.memory_space<semaphore_mem>>, %arg13: memref<!tpu.dma_semaphore, #tpu.memory_space<semaphore_mem>>) attributes {dimension_semantics = [#tpu.dimension_semantics<core_parallel>, #tpu.dimension_semantics<subcore_parallel>], iteration_bounds = array<i64: 2, 16>, scalar_prefetch = 0 : i64, scratch_operands = 7 : i64, tpu.core_type = #tpu.core_type<sc_vector_subcore>, window_params = [{transform_indices = #map}, {transform_indices = #map1}, {transform_indices = #map1}, {transform_indices = #map}, {transform_indices = #map1}]} {
    "tpu.trace_start"() <{level = 10 : i32, message = "segsum_stage"}> : () -> ()
    %mul3A = arith.constant 2 : i32
    %mul3A_0 = arith.muli %arg1, %mul3A : i32
    %add3A = arith.addi %mul3A_0, %arg0 : i32
    %mul3A_1 = arith.constant 632 : i32
    %mul3A_2 = arith.muli %arg1, %mul3A_1 : i32
    %mul3A_3 = arith.constant 632 : i32
    %mul3A_4 = arith.muli %arg1, %mul3A_3 : i32
    %dma_start3A = arith.constant 0 : i32
    %dma_start3A_5 = tpu.memref_slice %arg11[%mul3A_4, %dma_start3A] : memref<10112x64xf32, #tpu.memory_space<vmem_shared>> -> memref<632x64xf32, #tpu.memory_space<vmem_shared>>
    %dma_start3A_6 = arith.constant 0 : i32
    %dma_start3A_7 = tpu.memref_slice %arg2[%mul3A_2, %dma_start3A_6] : memref<10112x64xf32, #tpu.memory_space<hbm>> -> memref<632x64xf32, #tpu.memory_space<hbm>>
    tpu.enqueue_dma source(%dma_start3A_7 : memref<632x64xf32, #tpu.memory_space<hbm>>) target(%dma_start3A_5 : memref<632x64xf32, #tpu.memory_space<vmem_shared>>) target_semaphore(%arg13 : memref<!tpu.dma_semaphore, #tpu.memory_space<semaphore_mem>>)
    %mul3A_8 = arith.constant 632 : i32
    %mul3A_9 = arith.muli %arg1, %mul3A_8 : i32
    %mul3A_10 = arith.constant 632 : i32
    %mul3A_11 = arith.muli %arg1, %mul3A_10 : i32
    %dma_start3A_12 = arith.constant 0 : i32
    %dma_start3A_13 = tpu.memref_slice %arg10[%mul3A_11, %dma_start3A_12] : memref<10112x64xf32, #tpu.memory_space<vmem_shared>> -> memref<632x64xf32, #tpu.memory_space<vmem_shared>>
    %dma_start3A_14 = arith.constant 0 : i32
    %dma_start3A_15 = tpu.memref_slice %arg5[%mul3A_9, %dma_start3A_14] : memref<10112x64xf32, #tpu.memory_space<hbm>> -> memref<632x64xf32, #tpu.memory_space<hbm>>
    tpu.enqueue_dma source(%dma_start3A_15 : memref<632x64xf32, #tpu.memory_space<hbm>>) target(%dma_start3A_13 : memref<632x64xf32, #tpu.memory_space<vmem_shared>>) target_semaphore(%arg13 : memref<!tpu.dma_semaphore, #tpu.memory_space<semaphore_mem>>)
    %dma_start3A_16 = arith.constant 0 : i32
    %dma_start3A_17 = arith.constant 0 : i32
    %dma_start3A_18 = tpu.memref_slice %arg3[%add3A, %dma_start3A_16, %dma_start3A_17] : memref<32x93x128xi32, #tpu.memory_space<hbm>> -> memref<1x93x128xi32, #tpu.memory_space<hbm>>
    %dma_start3A_19 = tpu.memref_squeeze %dma_start3A_18 : memref<1x93x128xi32, #tpu.memory_space<hbm>> -> memref<93x128xi32, #tpu.memory_space<hbm>>
    %dma_start3A_20 = arith.constant 0 : i32
    %dma_start3A_21 = arith.constant 0 : i32
    %dma_start3A_22 = tpu.memref_slice %arg3[%add3A, %dma_start3A_20, %dma_start3A_21] : memref<32x93x128xi32, #tpu.memory_space<hbm>> -> memref<1x93x128xi32, #tpu.memory_space<hbm>>
    %dma_start3A_23 = tpu.memref_squeeze %dma_start3A_22 : memref<1x93x128xi32, #tpu.memory_space<hbm>> -> memref<93x128xi32, #tpu.memory_space<hbm>>
    tpu.enqueue_dma source(%dma_start3A_23 : memref<93x128xi32, #tpu.memory_space<hbm>>) target(%arg7 : memref<93x128xi32, #tpu.memory_space<vmem>>) target_semaphore(%arg13 : memref<!tpu.dma_semaphore, #tpu.memory_space<semaphore_mem>>)
    %dma_start3A_24 = arith.constant 0 : i32
    %dma_start3A_25 = arith.constant 0 : i32
    %dma_start3A_26 = tpu.memref_slice %arg4[%add3A, %dma_start3A_24, %dma_start3A_25] : memref<32x93x128xi32, #tpu.memory_space<hbm>> -> memref<1x93x128xi32, #tpu.memory_space<hbm>>
    %dma_start3A_27 = tpu.memref_squeeze %dma_start3A_26 : memref<1x93x128xi32, #tpu.memory_space<hbm>> -> memref<93x128xi32, #tpu.memory_space<hbm>>
    %dma_start3A_28 = arith.constant 0 : i32
    %dma_start3A_29 = arith.constant 0 : i32
    %dma_start3A_30 = tpu.memref_slice %arg4[%add3A, %dma_start3A_28, %dma_start3A_29] : memref<32x93x128xi32, #tpu.memory_space<hbm>> -> memref<1x93x128xi32, #tpu.memory_space<hbm>>
    %dma_start3A_31 = tpu.memref_squeeze %dma_start3A_30 : memref<1x93x128xi32, #tpu.memory_space<hbm>> -> memref<93x128xi32, #tpu.memory_space<hbm>>
    tpu.enqueue_dma source(%dma_start3A_31 : memref<93x128xi32, #tpu.memory_space<hbm>>) target(%arg8 : memref<93x128xi32, #tpu.memory_space<vmem>>) target_semaphore(%arg13 : memref<!tpu.dma_semaphore, #tpu.memory_space<semaphore_mem>>)
    %dma_wait3A = arith.constant 0 : i32
    %dma_wait3A_32 = tpu.memref_slice %arg11[%mul3A_4, %dma_wait3A] : memref<10112x64xf32, #tpu.memory_space<vmem_shared>> -> memref<632x64xf32, #tpu.memory_space<vmem_shared>>
    %dma_wait3A_33 = arith.constant 0 : i32
    %dma_wait3A_34 = tpu.memref_slice %arg2[%mul3A_2, %dma_wait3A_33] : memref<10112x64xf32, #tpu.memory_space<hbm>> -> memref<632x64xf32, #tpu.memory_space<hbm>>
    tpu.wait_dma2 semaphore(%arg13 : memref<!tpu.dma_semaphore, #tpu.memory_space<semaphore_mem>>) src(%dma_wait3A_34 : memref<632x64xf32, #tpu.memory_space<hbm>>) dst(%dma_wait3A_32 : memref<632x64xf32, #tpu.memory_space<vmem_shared>>)
    %dma_wait3A_35 = arith.constant 0 : i32
    %dma_wait3A_36 = tpu.memref_slice %arg10[%mul3A_11, %dma_wait3A_35] : memref<10112x64xf32, #tpu.memory_space<vmem_shared>> -> memref<632x64xf32, #tpu.memory_space<vmem_shared>>
    %dma_wait3A_37 = arith.constant 0 : i32
    %dma_wait3A_38 = tpu.memref_slice %arg5[%mul3A_9, %dma_wait3A_37] : memref<10112x64xf32, #tpu.memory_space<hbm>> -> memref<632x64xf32, #tpu.memory_space<hbm>>
    tpu.wait_dma2 semaphore(%arg13 : memref<!tpu.dma_semaphore, #tpu.memory_space<semaphore_mem>>) src(%dma_wait3A_38 : memref<632x64xf32, #tpu.memory_space<hbm>>) dst(%dma_wait3A_36 : memref<632x64xf32, #tpu.memory_space<vmem_shared>>)
    %dma_wait3A_39 = arith.constant 0 : i32
    %dma_wait3A_40 = arith.constant 0 : i32
    %dma_wait3A_41 = tpu.memref_slice %arg3[%add3A, %dma_wait3A_39, %dma_wait3A_40] : memref<32x93x128xi32, #tpu.memory_space<hbm>> -> memref<1x93x128xi32, #tpu.memory_space<hbm>>
    %dma_wait3A_42 = tpu.memref_squeeze %dma_wait3A_41 : memref<1x93x128xi32, #tpu.memory_space<hbm>> -> memref<93x128xi32, #tpu.memory_space<hbm>>
    %dma_wait3A_43 = arith.constant 0 : i32
    %dma_wait3A_44 = arith.constant 0 : i32
    %dma_wait3A_45 = tpu.memref_slice %arg3[%add3A, %dma_wait3A_43, %dma_wait3A_44] : memref<32x93x128xi32, #tpu.memory_space<hbm>> -> memref<1x93x128xi32, #tpu.memory_space<hbm>>
    %dma_wait3A_46 = tpu.memref_squeeze %dma_wait3A_45 : memref<1x93x128xi32, #tpu.memory_space<hbm>> -> memref<93x128xi32, #tpu.memory_space<hbm>>
    tpu.wait_dma2 semaphore(%arg13 : memref<!tpu.dma_semaphore, #tpu.memory_space<semaphore_mem>>) src(%dma_wait3A_46 : memref<93x128xi32, #tpu.memory_space<hbm>>) dst(%arg7 : memref<93x128xi32, #tpu.memory_space<vmem>>)
    %dma_wait3A_47 = arith.constant 0 : i32
    %dma_wait3A_48 = arith.constant 0 : i32
    %dma_wait3A_49 = tpu.memref_slice %arg4[%add3A, %dma_wait3A_47, %dma_wait3A_48] : memref<32x93x128xi32, #tpu.memory_space<hbm>> -> memref<1x93x128xi32, #tpu.memory_space<hbm>>
    %dma_wait3A_50 = tpu.memref_squeeze %dma_wait3A_49 : memref<1x93x128xi32, #tpu.memory_space<hbm>> -> memref<93x128xi32, #tpu.memory_space<hbm>>
    %dma_wait3A_51 = arith.constant 0 : i32
    %dma_wait3A_52 = arith.constant 0 : i32
    %dma_wait3A_53 = tpu.memref_slice %arg4[%add3A, %dma_wait3A_51, %dma_wait3A_52] : memref<32x93x128xi32, #tpu.memory_space<hbm>> -> memref<1x93x128xi32, #tpu.memory_space<hbm>>
    %dma_wait3A_54 = tpu.memref_squeeze %dma_wait3A_53 : memref<1x93x128xi32, #tpu.memory_space<hbm>> -> memref<93x128xi32, #tpu.memory_space<hbm>>
    tpu.wait_dma2 semaphore(%arg13 : memref<!tpu.dma_semaphore, #tpu.memory_space<semaphore_mem>>) src(%dma_wait3A_54 : memref<93x128xi32, #tpu.memory_space<hbm>>) dst(%arg8 : memref<93x128xi32, #tpu.memory_space<vmem>>)
    %barrier3A = arith.constant 0 : index
    tpu.barrier barrier_id(%barrier3A)
    %eq3A = arith.constant 0 : i32
    "tpu.trace_stop"() : () -> ()
    "tpu.trace_start"() <{level = 10 : i32, message = "segsum_edges"}> : () -> ()
    %eq3A_55 = arith.cmpi eq, %arg0, %eq3A : i32
    %convert_element_type3A = arith.extui %eq3A_55 : i1 to i32
    %cond3A = arith.constant 0 : i32
    %cond3A_56 = arith.cmpi ne, %convert_element_type3A, %cond3A : i32
    scf.if %cond3A_56 {
      %scan3A = arith.constant 0 : i32
      %scan3A_67 = arith.constant 0 : i32
      %scan3A_68 = arith.constant 31 : i32
      %scan3A_69 = arith.addi %scan3A_67, %scan3A_68 : i32
      %scan3A_70 = arith.constant 1 : i32
      scf.for %scan3A_72 = %scan3A_67 to %scan3A_69 step %scan3A_70  : i32 {
        %mul3A_73 = arith.constant 3 : i32
        %mul3A_74 = arith.muli %scan3A_72, %mul3A_73 : i32
        %add3A_75 = arith.constant 0 : i32
        %add3A_76 = arith.addi %mul3A_74, %add3A_75 : i32
        %dma_start3A_77 = arith.constant 0 : i32
        %dma_start3A_78 = arith.constant 0 : i32
        %dma_start3A_79 = arith.constant 0 : i32
        %dma_start3A_80 = arith.constant 0 : i32
        %dma_start3A_81 = tpu.memref_slice %arg9[%dma_start3A_77, %dma_start3A_79, %dma_start3A_80] : memref<3x128x64xf32, #tpu.memory_space<vmem>> -> memref<1x128x64xf32, #tpu.memory_space<vmem>>
        %dma_start3A_82 = tpu.memref_squeeze %dma_start3A_81 : memref<1x128x64xf32, #tpu.memory_space<vmem>> -> memref<128x64xf32, #tpu.memory_space<vmem>>
        %dma_start3A_83 = arith.constant 0 : i32
        %dma_start3A_84 = tpu.memref_slice %arg7[%add3A_76, %dma_start3A_83] : memref<93x128xi32, #tpu.memory_space<vmem>> -> memref<1x128xi32, #tpu.memory_space<vmem>>
        %dma_start3A_85 = tpu.memref_squeeze %dma_start3A_84 : memref<1x128xi32, #tpu.memory_space<vmem>> -> memref<128xi32, #tpu.memory_space<vmem>>
        %dma_start3A_86 = arith.constant 0 : i32
        %dma_start3A_87 = arith.constant 0 : i32
        %dma_start3A_88 = tpu.memref_slice %arg11[%dma_start3A_86, %dma_start3A_87] : memref<10112x64xf32, #tpu.memory_space<vmem_shared>> -> memref<10112x64xf32, #tpu.memory_space<vmem_shared>>
        %dma_start3A_89 = tpu.memref_slice %arg12[%dma_start3A_78] : memref<3x!tpu.dma_semaphore, #tpu.memory_space<semaphore_mem>> -> memref<1x!tpu.dma_semaphore, #tpu.memory_space<semaphore_mem>>
        %dma_start3A_90 = tpu.memref_squeeze %dma_start3A_89 : memref<1x!tpu.dma_semaphore, #tpu.memory_space<semaphore_mem>> -> memref<!tpu.dma_semaphore, #tpu.memory_space<semaphore_mem>>
        tpu.enqueue_indirect_dma source(%dma_start3A_88 : memref<10112x64xf32, #tpu.memory_space<vmem_shared>>) target(%dma_start3A_82 : memref<128x64xf32, #tpu.memory_space<vmem>>) offsets(%dma_start3A_85 : memref<128xi32, #tpu.memory_space<vmem>>) semaphore(%dma_start3A_90 : memref<!tpu.dma_semaphore, #tpu.memory_space<semaphore_mem>>)
        %add3A_91 = arith.constant 1 : i32
        %add3A_92 = arith.addi %mul3A_74, %add3A_91 : i32
        %dma_start3A_93 = arith.constant 1 : i32
        %dma_start3A_94 = arith.constant 1 : i32
        %dma_start3A_95 = arith.constant 0 : i32
        %dma_start3A_96 = arith.constant 0 : i32
        %dma_start3A_97 = tpu.memref_slice %arg9[%dma_start3A_93, %dma_start3A_95, %dma_start3A_96] : memref<3x128x64xf32, #tpu.memory_space<vmem>> -> memref<1x128x64xf32, #tpu.memory_space<vmem>>
        %dma_start3A_98 = tpu.memref_squeeze %dma_start3A_97 : memref<1x128x64xf32, #tpu.memory_space<vmem>> -> memref<128x64xf32, #tpu.memory_space<vmem>>
        %dma_start3A_99 = arith.constant 0 : i32
        %dma_start3A_100 = tpu.memref_slice %arg7[%add3A_92, %dma_start3A_99] : memref<93x128xi32, #tpu.memory_space<vmem>> -> memref<1x128xi32, #tpu.memory_space<vmem>>
        %dma_start3A_101 = tpu.memref_squeeze %dma_start3A_100 : memref<1x128xi32, #tpu.memory_space<vmem>> -> memref<128xi32, #tpu.memory_space<vmem>>
        %dma_start3A_102 = arith.constant 0 : i32
        %dma_start3A_103 = arith.constant 0 : i32
        %dma_start3A_104 = tpu.memref_slice %arg11[%dma_start3A_102, %dma_start3A_103] : memref<10112x64xf32, #tpu.memory_space<vmem_shared>> -> memref<10112x64xf32, #tpu.memory_space<vmem_shared>>
        %dma_start3A_105 = tpu.memref_slice %arg12[%dma_start3A_94] : memref<3x!tpu.dma_semaphore, #tpu.memory_space<semaphore_mem>> -> memref<1x!tpu.dma_semaphore, #tpu.memory_space<semaphore_mem>>
        %dma_start3A_106 = tpu.memref_squeeze %dma_start3A_105 : memref<1x!tpu.dma_semaphore, #tpu.memory_space<semaphore_mem>> -> memref<!tpu.dma_semaphore, #tpu.memory_space<semaphore_mem>>
        tpu.enqueue_indirect_dma source(%dma_start3A_104 : memref<10112x64xf32, #tpu.memory_space<vmem_shared>>) target(%dma_start3A_98 : memref<128x64xf32, #tpu.memory_space<vmem>>) offsets(%dma_start3A_101 : memref<128xi32, #tpu.memory_space<vmem>>) semaphore(%dma_start3A_106 : memref<!tpu.dma_semaphore, #tpu.memory_space<semaphore_mem>>)
        %add3A_107 = arith.constant 2 : i32
        %add3A_108 = arith.addi %mul3A_74, %add3A_107 : i32
        %dma_start3A_109 = arith.constant 2 : i32
        %dma_start3A_110 = arith.constant 2 : i32
        %dma_start3A_111 = arith.constant 0 : i32
        %dma_start3A_112 = arith.constant 0 : i32
        %dma_start3A_113 = tpu.memref_slice %arg9[%dma_start3A_109, %dma_start3A_111, %dma_start3A_112] : memref<3x128x64xf32, #tpu.memory_space<vmem>> -> memref<1x128x64xf32, #tpu.memory_space<vmem>>
        %dma_start3A_114 = tpu.memref_squeeze %dma_start3A_113 : memref<1x128x64xf32, #tpu.memory_space<vmem>> -> memref<128x64xf32, #tpu.memory_space<vmem>>
        %dma_start3A_115 = arith.constant 0 : i32
        %dma_start3A_116 = tpu.memref_slice %arg7[%add3A_108, %dma_start3A_115] : memref<93x128xi32, #tpu.memory_space<vmem>> -> memref<1x128xi32, #tpu.memory_space<vmem>>
        %dma_start3A_117 = tpu.memref_squeeze %dma_start3A_116 : memref<1x128xi32, #tpu.memory_space<vmem>> -> memref<128xi32, #tpu.memory_space<vmem>>
        %dma_start3A_118 = arith.constant 0 : i32
        %dma_start3A_119 = arith.constant 0 : i32
        %dma_start3A_120 = tpu.memref_slice %arg11[%dma_start3A_118, %dma_start3A_119] : memref<10112x64xf32, #tpu.memory_space<vmem_shared>> -> memref<10112x64xf32, #tpu.memory_space<vmem_shared>>
        %dma_start3A_121 = tpu.memref_slice %arg12[%dma_start3A_110] : memref<3x!tpu.dma_semaphore, #tpu.memory_space<semaphore_mem>> -> memref<1x!tpu.dma_semaphore, #tpu.memory_space<semaphore_mem>>
        %dma_start3A_122 = tpu.memref_squeeze %dma_start3A_121 : memref<1x!tpu.dma_semaphore, #tpu.memory_space<semaphore_mem>> -> memref<!tpu.dma_semaphore, #tpu.memory_space<semaphore_mem>>
        tpu.enqueue_indirect_dma source(%dma_start3A_120 : memref<10112x64xf32, #tpu.memory_space<vmem_shared>>) target(%dma_start3A_114 : memref<128x64xf32, #tpu.memory_space<vmem>>) offsets(%dma_start3A_117 : memref<128xi32, #tpu.memory_space<vmem>>) semaphore(%dma_start3A_122 : memref<!tpu.dma_semaphore, #tpu.memory_space<semaphore_mem>>)
        %dma_wait3A_123 = arith.constant 0 : i32
        %dma_wait3A_124 = arith.constant 0 : i32
        %dma_wait3A_125 = arith.constant 0 : i32
        %dma_wait3A_126 = arith.constant 0 : i32
        %dma_wait3A_127 = tpu.memref_slice %arg9[%dma_wait3A_123, %dma_wait3A_125, %dma_wait3A_126] : memref<3x128x64xf32, #tpu.memory_space<vmem>> -> memref<1x128x64xf32, #tpu.memory_space<vmem>>
        %dma_wait3A_128 = tpu.memref_squeeze %dma_wait3A_127 : memref<1x128x64xf32, #tpu.memory_space<vmem>> -> memref<128x64xf32, #tpu.memory_space<vmem>>
        %dma_wait3A_129 = arith.constant 0 : i32
        %dma_wait3A_130 = tpu.memref_slice %arg7[%add3A_76, %dma_wait3A_129] : memref<93x128xi32, #tpu.memory_space<vmem>> -> memref<1x128xi32, #tpu.memory_space<vmem>>
        %dma_wait3A_131 = tpu.memref_squeeze %dma_wait3A_130 : memref<1x128xi32, #tpu.memory_space<vmem>> -> memref<128xi32, #tpu.memory_space<vmem>>
        %dma_wait3A_132 = arith.constant 0 : i32
        %dma_wait3A_133 = arith.constant 0 : i32
        %dma_wait3A_134 = tpu.memref_slice %arg11[%dma_wait3A_132, %dma_wait3A_133] : memref<10112x64xf32, #tpu.memory_space<vmem_shared>> -> memref<10112x64xf32, #tpu.memory_space<vmem_shared>>
        %dma_wait3A_135 = tpu.memref_slice %arg12[%dma_wait3A_124] : memref<3x!tpu.dma_semaphore, #tpu.memory_space<semaphore_mem>> -> memref<1x!tpu.dma_semaphore, #tpu.memory_space<semaphore_mem>>
        %dma_wait3A_136 = tpu.memref_squeeze %dma_wait3A_135 : memref<1x!tpu.dma_semaphore, #tpu.memory_space<semaphore_mem>> -> memref<!tpu.dma_semaphore, #tpu.memory_space<semaphore_mem>>
        tpu.wait_indirect_dma semaphore(%dma_wait3A_136 : memref<!tpu.dma_semaphore, #tpu.memory_space<semaphore_mem>>) src(%dma_wait3A_134 : memref<10112x64xf32, #tpu.memory_space<vmem_shared>>) dst(%dma_wait3A_128 : memref<128x64xf32, #tpu.memory_space<vmem>>)
        %add3A_137 = arith.constant 0 : i32
        %add3A_138 = arith.addi %mul3A_74, %add3A_137 : i32
        %dma_start3A_139 = arith.constant 0 : i32
        %dma_start3A_140 = arith.constant 0 : i32
        %dma_start3A_141 = arith.constant 0 : i32
        %dma_start3A_142 = tpu.memref_slice %arg9[%dma_start3A_139, %dma_start3A_140, %dma_start3A_141] : memref<3x128x64xf32, #tpu.memory_space<vmem>> -> memref<1x128x64xf32, #tpu.memory_space<vmem>>
        %dma_start3A_143 = tpu.memref_squeeze %dma_start3A_142 : memref<1x128x64xf32, #tpu.memory_space<vmem>> -> memref<128x64xf32, #tpu.memory_space<vmem>>
        %dma_start3A_144 = arith.constant 0 : i32
        %dma_start3A_145 = tpu.memref_slice %arg8[%add3A_138, %dma_start3A_144] : memref<93x128xi32, #tpu.memory_space<vmem>> -> memref<1x128xi32, #tpu.memory_space<vmem>>
        %dma_start3A_146 = tpu.memref_squeeze %dma_start3A_145 : memref<1x128xi32, #tpu.memory_space<vmem>> -> memref<128xi32, #tpu.memory_space<vmem>>
        %dma_start3A_147 = arith.constant 0 : i32
        %dma_start3A_148 = arith.constant 0 : i32
        %dma_start3A_149 = tpu.memref_slice %arg10[%dma_start3A_147, %dma_start3A_148] : memref<10112x64xf32, #tpu.memory_space<vmem_shared>> -> memref<10112x64xf32, #tpu.memory_space<vmem_shared>>
        tpu.enqueue_indirect_dma source(%dma_start3A_143 : memref<128x64xf32, #tpu.memory_space<vmem>>) target(%dma_start3A_149 : memref<10112x64xf32, #tpu.memory_space<vmem_shared>>) offsets(%dma_start3A_146 : memref<128xi32, #tpu.memory_space<vmem>>) semaphore(%arg13 : memref<!tpu.dma_semaphore, #tpu.memory_space<semaphore_mem>>) {add = true}
        %dma_wait3A_150 = arith.constant 1 : i32
        %dma_wait3A_151 = arith.constant 1 : i32
        %dma_wait3A_152 = arith.constant 0 : i32
        %dma_wait3A_153 = arith.constant 0 : i32
        %dma_wait3A_154 = tpu.memref_slice %arg9[%dma_wait3A_150, %dma_wait3A_152, %dma_wait3A_153] : memref<3x128x64xf32, #tpu.memory_space<vmem>> -> memref<1x128x64xf32, #tpu.memory_space<vmem>>
        %dma_wait3A_155 = tpu.memref_squeeze %dma_wait3A_154 : memref<1x128x64xf32, #tpu.memory_space<vmem>> -> memref<128x64xf32, #tpu.memory_space<vmem>>
        %dma_wait3A_156 = arith.constant 0 : i32
        %dma_wait3A_157 = tpu.memref_slice %arg7[%add3A_92, %dma_wait3A_156] : memref<93x128xi32, #tpu.memory_space<vmem>> -> memref<1x128xi32, #tpu.memory_space<vmem>>
        %dma_wait3A_158 = tpu.memref_squeeze %dma_wait3A_157 : memref<1x128xi32, #tpu.memory_space<vmem>> -> memref<128xi32, #tpu.memory_space<vmem>>
        %dma_wait3A_159 = arith.constant 0 : i32
        %dma_wait3A_160 = arith.constant 0 : i32
        %dma_wait3A_161 = tpu.memref_slice %arg11[%dma_wait3A_159, %dma_wait3A_160] : memref<10112x64xf32, #tpu.memory_space<vmem_shared>> -> memref<10112x64xf32, #tpu.memory_space<vmem_shared>>
        %dma_wait3A_162 = tpu.memref_slice %arg12[%dma_wait3A_151] : memref<3x!tpu.dma_semaphore, #tpu.memory_space<semaphore_mem>> -> memref<1x!tpu.dma_semaphore, #tpu.memory_space<semaphore_mem>>
        %dma_wait3A_163 = tpu.memref_squeeze %dma_wait3A_162 : memref<1x!tpu.dma_semaphore, #tpu.memory_space<semaphore_mem>> -> memref<!tpu.dma_semaphore, #tpu.memory_space<semaphore_mem>>
        tpu.wait_indirect_dma semaphore(%dma_wait3A_163 : memref<!tpu.dma_semaphore, #tpu.memory_space<semaphore_mem>>) src(%dma_wait3A_161 : memref<10112x64xf32, #tpu.memory_space<vmem_shared>>) dst(%dma_wait3A_155 : memref<128x64xf32, #tpu.memory_space<vmem>>)
        %add3A_164 = arith.constant 1 : i32
        %add3A_165 = arith.addi %mul3A_74, %add3A_164 : i32
        %dma_start3A_166 = arith.constant 1 : i32
        %dma_start3A_167 = arith.constant 0 : i32
        %dma_start3A_168 = arith.constant 0 : i32
        %dma_start3A_169 = tpu.memref_slice %arg9[%dma_start3A_166, %dma_start3A_167, %dma_start3A_168] : memref<3x128x64xf32, #tpu.memory_space<vmem>> -> memref<1x128x64xf32, #tpu.memory_space<vmem>>
        %dma_start3A_170 = tpu.memref_squeeze %dma_start3A_169 : memref<1x128x64xf32, #tpu.memory_space<vmem>> -> memref<128x64xf32, #tpu.memory_space<vmem>>
        %dma_start3A_171 = arith.constant 0 : i32
        %dma_start3A_172 = tpu.memref_slice %arg8[%add3A_165, %dma_start3A_171] : memref<93x128xi32, #tpu.memory_space<vmem>> -> memref<1x128xi32, #tpu.memory_space<vmem>>
        %dma_start3A_173 = tpu.memref_squeeze %dma_start3A_172 : memref<1x128xi32, #tpu.memory_space<vmem>> -> memref<128xi32, #tpu.memory_space<vmem>>
        %dma_start3A_174 = arith.constant 0 : i32
        %dma_start3A_175 = arith.constant 0 : i32
        %dma_start3A_176 = tpu.memref_slice %arg10[%dma_start3A_174, %dma_start3A_175] : memref<10112x64xf32, #tpu.memory_space<vmem_shared>> -> memref<10112x64xf32, #tpu.memory_space<vmem_shared>>
        tpu.enqueue_indirect_dma source(%dma_start3A_170 : memref<128x64xf32, #tpu.memory_space<vmem>>) target(%dma_start3A_176 : memref<10112x64xf32, #tpu.memory_space<vmem_shared>>) offsets(%dma_start3A_173 : memref<128xi32, #tpu.memory_space<vmem>>) semaphore(%arg13 : memref<!tpu.dma_semaphore, #tpu.memory_space<semaphore_mem>>) {add = true}
        %dma_wait3A_177 = arith.constant 2 : i32
        %dma_wait3A_178 = arith.constant 2 : i32
        %dma_wait3A_179 = arith.constant 0 : i32
        %dma_wait3A_180 = arith.constant 0 : i32
        %dma_wait3A_181 = tpu.memref_slice %arg9[%dma_wait3A_177, %dma_wait3A_179, %dma_wait3A_180] : memref<3x128x64xf32, #tpu.memory_space<vmem>> -> memref<1x128x64xf32, #tpu.memory_space<vmem>>
        %dma_wait3A_182 = tpu.memref_squeeze %dma_wait3A_181 : memref<1x128x64xf32, #tpu.memory_space<vmem>> -> memref<128x64xf32, #tpu.memory_space<vmem>>
        %dma_wait3A_183 = arith.constant 0 : i32
        %dma_wait3A_184 = tpu.memref_slice %arg7[%add3A_108, %dma_wait3A_183] : memref<93x128xi32, #tpu.memory_space<vmem>> -> memref<1x128xi32, #tpu.memory_space<vmem>>
        %dma_wait3A_185 = tpu.memref_squeeze %dma_wait3A_184 : memref<1x128xi32, #tpu.memory_space<vmem>> -> memref<128xi32, #tpu.memory_space<vmem>>
        %dma_wait3A_186 = arith.constant 0 : i32
        %dma_wait3A_187 = arith.constant 0 : i32
        %dma_wait3A_188 = tpu.memref_slice %arg11[%dma_wait3A_186, %dma_wait3A_187] : memref<10112x64xf32, #tpu.memory_space<vmem_shared>> -> memref<10112x64xf32, #tpu.memory_space<vmem_shared>>
        %dma_wait3A_189 = tpu.memref_slice %arg12[%dma_wait3A_178] : memref<3x!tpu.dma_semaphore, #tpu.memory_space<semaphore_mem>> -> memref<1x!tpu.dma_semaphore, #tpu.memory_space<semaphore_mem>>
        %dma_wait3A_190 = tpu.memref_squeeze %dma_wait3A_189 : memref<1x!tpu.dma_semaphore, #tpu.memory_space<semaphore_mem>> -> memref<!tpu.dma_semaphore, #tpu.memory_space<semaphore_mem>>
        tpu.wait_indirect_dma semaphore(%dma_wait3A_190 : memref<!tpu.dma_semaphore, #tpu.memory_space<semaphore_mem>>) src(%dma_wait3A_188 : memref<10112x64xf32, #tpu.memory_space<vmem_shared>>) dst(%dma_wait3A_182 : memref<128x64xf32, #tpu.memory_space<vmem>>)
        %add3A_191 = arith.constant 2 : i32
        %add3A_192 = arith.addi %mul3A_74, %add3A_191 : i32
        %dma_start3A_193 = arith.constant 2 : i32
        %dma_start3A_194 = arith.constant 0 : i32
        %dma_start3A_195 = arith.constant 0 : i32
        %dma_start3A_196 = tpu.memref_slice %arg9[%dma_start3A_193, %dma_start3A_194, %dma_start3A_195] : memref<3x128x64xf32, #tpu.memory_space<vmem>> -> memref<1x128x64xf32, #tpu.memory_space<vmem>>
        %dma_start3A_197 = tpu.memref_squeeze %dma_start3A_196 : memref<1x128x64xf32, #tpu.memory_space<vmem>> -> memref<128x64xf32, #tpu.memory_space<vmem>>
        %dma_start3A_198 = arith.constant 0 : i32
        %dma_start3A_199 = tpu.memref_slice %arg8[%add3A_192, %dma_start3A_198] : memref<93x128xi32, #tpu.memory_space<vmem>> -> memref<1x128xi32, #tpu.memory_space<vmem>>
        %dma_start3A_200 = tpu.memref_squeeze %dma_start3A_199 : memref<1x128xi32, #tpu.memory_space<vmem>> -> memref<128xi32, #tpu.memory_space<vmem>>
        %dma_start3A_201 = arith.constant 0 : i32
        %dma_start3A_202 = arith.constant 0 : i32
        %dma_start3A_203 = tpu.memref_slice %arg10[%dma_start3A_201, %dma_start3A_202] : memref<10112x64xf32, #tpu.memory_space<vmem_shared>> -> memref<10112x64xf32, #tpu.memory_space<vmem_shared>>
        tpu.enqueue_indirect_dma source(%dma_start3A_197 : memref<128x64xf32, #tpu.memory_space<vmem>>) target(%dma_start3A_203 : memref<10112x64xf32, #tpu.memory_space<vmem_shared>>) offsets(%dma_start3A_200 : memref<128xi32, #tpu.memory_space<vmem>>) semaphore(%arg13 : memref<!tpu.dma_semaphore, #tpu.memory_space<semaphore_mem>>) {add = true}
        %dma_wait3A_204 = arith.constant 0 : i32
        %dma_wait3A_205 = arith.constant 0 : i32
        %dma_wait3A_206 = arith.constant 0 : i32
        %dma_wait3A_207 = tpu.memref_slice %arg9[%dma_wait3A_204, %dma_wait3A_205, %dma_wait3A_206] : memref<3x128x64xf32, #tpu.memory_space<vmem>> -> memref<1x128x64xf32, #tpu.memory_space<vmem>>
        %dma_wait3A_208 = tpu.memref_squeeze %dma_wait3A_207 : memref<1x128x64xf32, #tpu.memory_space<vmem>> -> memref<128x64xf32, #tpu.memory_space<vmem>>
        %dma_wait3A_209 = arith.constant 0 : i32
        %dma_wait3A_210 = tpu.memref_slice %arg8[%add3A_138, %dma_wait3A_209] : memref<93x128xi32, #tpu.memory_space<vmem>> -> memref<1x128xi32, #tpu.memory_space<vmem>>
        %dma_wait3A_211 = tpu.memref_squeeze %dma_wait3A_210 : memref<1x128xi32, #tpu.memory_space<vmem>> -> memref<128xi32, #tpu.memory_space<vmem>>
        %dma_wait3A_212 = arith.constant 0 : i32
        %dma_wait3A_213 = arith.constant 0 : i32
        %dma_wait3A_214 = tpu.memref_slice %arg10[%dma_wait3A_212, %dma_wait3A_213] : memref<10112x64xf32, #tpu.memory_space<vmem_shared>> -> memref<10112x64xf32, #tpu.memory_space<vmem_shared>>
        tpu.wait_indirect_dma semaphore(%arg13 : memref<!tpu.dma_semaphore, #tpu.memory_space<semaphore_mem>>) src(%dma_wait3A_208 : memref<128x64xf32, #tpu.memory_space<vmem>>) dst(%dma_wait3A_214 : memref<10112x64xf32, #tpu.memory_space<vmem_shared>>)
        %dma_wait3A_215 = arith.constant 1 : i32
        %dma_wait3A_216 = arith.constant 0 : i32
        %dma_wait3A_217 = arith.constant 0 : i32
        %dma_wait3A_218 = tpu.memref_slice %arg9[%dma_wait3A_215, %dma_wait3A_216, %dma_wait3A_217] : memref<3x128x64xf32, #tpu.memory_space<vmem>> -> memref<1x128x64xf32, #tpu.memory_space<vmem>>
        %dma_wait3A_219 = tpu.memref_squeeze %dma_wait3A_218 : memref<1x128x64xf32, #tpu.memory_space<vmem>> -> memref<128x64xf32, #tpu.memory_space<vmem>>
        %dma_wait3A_220 = arith.constant 0 : i32
        %dma_wait3A_221 = tpu.memref_slice %arg8[%add3A_165, %dma_wait3A_220] : memref<93x128xi32, #tpu.memory_space<vmem>> -> memref<1x128xi32, #tpu.memory_space<vmem>>
        %dma_wait3A_222 = tpu.memref_squeeze %dma_wait3A_221 : memref<1x128xi32, #tpu.memory_space<vmem>> -> memref<128xi32, #tpu.memory_space<vmem>>
        %dma_wait3A_223 = arith.constant 0 : i32
        %dma_wait3A_224 = arith.constant 0 : i32
        %dma_wait3A_225 = tpu.memref_slice %arg10[%dma_wait3A_223, %dma_wait3A_224] : memref<10112x64xf32, #tpu.memory_space<vmem_shared>> -> memref<10112x64xf32, #tpu.memory_space<vmem_shared>>
        tpu.wait_indirect_dma semaphore(%arg13 : memref<!tpu.dma_semaphore, #tpu.memory_space<semaphore_mem>>) src(%dma_wait3A_219 : memref<128x64xf32, #tpu.memory_space<vmem>>) dst(%dma_wait3A_225 : memref<10112x64xf32, #tpu.memory_space<vmem_shared>>)
        %dma_wait3A_226 = arith.constant 2 : i32
        %dma_wait3A_227 = arith.constant 0 : i32
        %dma_wait3A_228 = arith.constant 0 : i32
        %dma_wait3A_229 = tpu.memref_slice %arg9[%dma_wait3A_226, %dma_wait3A_227, %dma_wait3A_228] : memref<3x128x64xf32, #tpu.memory_space<vmem>> -> memref<1x128x64xf32, #tpu.memory_space<vmem>>
        %dma_wait3A_230 = tpu.memref_squeeze %dma_wait3A_229 : memref<1x128x64xf32, #tpu.memory_space<vmem>> -> memref<128x64xf32, #tpu.memory_space<vmem>>
        %dma_wait3A_231 = arith.constant 0 : i32
        %dma_wait3A_232 = tpu.memref_slice %arg8[%add3A_192, %dma_wait3A_231] : memref<93x128xi32, #tpu.memory_space<vmem>> -> memref<1x128xi32, #tpu.memory_space<vmem>>
        %dma_wait3A_233 = tpu.memref_squeeze %dma_wait3A_232 : memref<1x128xi32, #tpu.memory_space<vmem>> -> memref<128xi32, #tpu.memory_space<vmem>>
        %dma_wait3A_234 = arith.constant 0 : i32
        %dma_wait3A_235 = arith.constant 0 : i32
        %dma_wait3A_236 = tpu.memref_slice %arg10[%dma_wait3A_234, %dma_wait3A_235] : memref<10112x64xf32, #tpu.memory_space<vmem_shared>> -> memref<10112x64xf32, #tpu.memory_space<vmem_shared>>
        tpu.wait_indirect_dma semaphore(%arg13 : memref<!tpu.dma_semaphore, #tpu.memory_space<semaphore_mem>>) src(%dma_wait3A_230 : memref<128x64xf32, #tpu.memory_space<vmem>>) dst(%dma_wait3A_236 : memref<10112x64xf32, #tpu.memory_space<vmem_shared>>)
      }
      %scan3A_71 = arith.constant 31 : i32
    } else {
    }
    %eq3A_57 = arith.constant 1 : i32
    %eq3A_58 = arith.cmpi eq, %arg0, %eq3A_57 : i32
    %convert_element_type3A_59 = arith.extui %eq3A_58 : i1 to i32
    %cond3A_60 = arith.constant 0 : i32
    %cond3A_61 = arith.cmpi ne, %convert_element_type3A_59, %cond3A_60 : i32
    scf.if %cond3A_61 {
      %scan3A = arith.constant 0 : i32
      %scan3A_67 = arith.constant 0 : i32
      %scan3A_68 = arith.constant 23 : i32
      %scan3A_69 = arith.addi %scan3A_67, %scan3A_68 : i32
      %scan3A_70 = arith.constant 1 : i32
      scf.for %scan3A_72 = %scan3A_67 to %scan3A_69 step %scan3A_70  : i32 {
        %mul3A_73 = arith.constant 3 : i32
        %mul3A_74 = arith.muli %scan3A_72, %mul3A_73 : i32
        %add3A_75 = arith.constant 0 : i32
        %add3A_76 = arith.addi %mul3A_74, %add3A_75 : i32
        %dma_start3A_77 = arith.constant 0 : i32
        %dma_start3A_78 = arith.constant 0 : i32
        %dma_start3A_79 = arith.constant 0 : i32
        %dma_start3A_80 = arith.constant 0 : i32
        %dma_start3A_81 = tpu.memref_slice %arg9[%dma_start3A_77, %dma_start3A_79, %dma_start3A_80] : memref<3x128x64xf32, #tpu.memory_space<vmem>> -> memref<1x128x64xf32, #tpu.memory_space<vmem>>
        %dma_start3A_82 = tpu.memref_squeeze %dma_start3A_81 : memref<1x128x64xf32, #tpu.memory_space<vmem>> -> memref<128x64xf32, #tpu.memory_space<vmem>>
        %dma_start3A_83 = arith.constant 0 : i32
        %dma_start3A_84 = tpu.memref_slice %arg7[%add3A_76, %dma_start3A_83] : memref<93x128xi32, #tpu.memory_space<vmem>> -> memref<1x128xi32, #tpu.memory_space<vmem>>
        %dma_start3A_85 = tpu.memref_squeeze %dma_start3A_84 : memref<1x128xi32, #tpu.memory_space<vmem>> -> memref<128xi32, #tpu.memory_space<vmem>>
        %dma_start3A_86 = arith.constant 0 : i32
        %dma_start3A_87 = arith.constant 0 : i32
        %dma_start3A_88 = tpu.memref_slice %arg11[%dma_start3A_86, %dma_start3A_87] : memref<10112x64xf32, #tpu.memory_space<vmem_shared>> -> memref<10112x64xf32, #tpu.memory_space<vmem_shared>>
        %dma_start3A_89 = tpu.memref_slice %arg12[%dma_start3A_78] : memref<3x!tpu.dma_semaphore, #tpu.memory_space<semaphore_mem>> -> memref<1x!tpu.dma_semaphore, #tpu.memory_space<semaphore_mem>>
        %dma_start3A_90 = tpu.memref_squeeze %dma_start3A_89 : memref<1x!tpu.dma_semaphore, #tpu.memory_space<semaphore_mem>> -> memref<!tpu.dma_semaphore, #tpu.memory_space<semaphore_mem>>
        tpu.enqueue_indirect_dma source(%dma_start3A_88 : memref<10112x64xf32, #tpu.memory_space<vmem_shared>>) target(%dma_start3A_82 : memref<128x64xf32, #tpu.memory_space<vmem>>) offsets(%dma_start3A_85 : memref<128xi32, #tpu.memory_space<vmem>>) semaphore(%dma_start3A_90 : memref<!tpu.dma_semaphore, #tpu.memory_space<semaphore_mem>>)
        %add3A_91 = arith.constant 1 : i32
        %add3A_92 = arith.addi %mul3A_74, %add3A_91 : i32
        %dma_start3A_93 = arith.constant 1 : i32
        %dma_start3A_94 = arith.constant 1 : i32
        %dma_start3A_95 = arith.constant 0 : i32
        %dma_start3A_96 = arith.constant 0 : i32
        %dma_start3A_97 = tpu.memref_slice %arg9[%dma_start3A_93, %dma_start3A_95, %dma_start3A_96] : memref<3x128x64xf32, #tpu.memory_space<vmem>> -> memref<1x128x64xf32, #tpu.memory_space<vmem>>
        %dma_start3A_98 = tpu.memref_squeeze %dma_start3A_97 : memref<1x128x64xf32, #tpu.memory_space<vmem>> -> memref<128x64xf32, #tpu.memory_space<vmem>>
        %dma_start3A_99 = arith.constant 0 : i32
        %dma_start3A_100 = tpu.memref_slice %arg7[%add3A_92, %dma_start3A_99] : memref<93x128xi32, #tpu.memory_space<vmem>> -> memref<1x128xi32, #tpu.memory_space<vmem>>
        %dma_start3A_101 = tpu.memref_squeeze %dma_start3A_100 : memref<1x128xi32, #tpu.memory_space<vmem>> -> memref<128xi32, #tpu.memory_space<vmem>>
        %dma_start3A_102 = arith.constant 0 : i32
        %dma_start3A_103 = arith.constant 0 : i32
        %dma_start3A_104 = tpu.memref_slice %arg11[%dma_start3A_102, %dma_start3A_103] : memref<10112x64xf32, #tpu.memory_space<vmem_shared>> -> memref<10112x64xf32, #tpu.memory_space<vmem_shared>>
        %dma_start3A_105 = tpu.memref_slice %arg12[%dma_start3A_94] : memref<3x!tpu.dma_semaphore, #tpu.memory_space<semaphore_mem>> -> memref<1x!tpu.dma_semaphore, #tpu.memory_space<semaphore_mem>>
        %dma_start3A_106 = tpu.memref_squeeze %dma_start3A_105 : memref<1x!tpu.dma_semaphore, #tpu.memory_space<semaphore_mem>> -> memref<!tpu.dma_semaphore, #tpu.memory_space<semaphore_mem>>
        tpu.enqueue_indirect_dma source(%dma_start3A_104 : memref<10112x64xf32, #tpu.memory_space<vmem_shared>>) target(%dma_start3A_98 : memref<128x64xf32, #tpu.memory_space<vmem>>) offsets(%dma_start3A_101 : memref<128xi32, #tpu.memory_space<vmem>>) semaphore(%dma_start3A_106 : memref<!tpu.dma_semaphore, #tpu.memory_space<semaphore_mem>>)
        %add3A_107 = arith.constant 2 : i32
        %add3A_108 = arith.addi %mul3A_74, %add3A_107 : i32
        %dma_start3A_109 = arith.constant 2 : i32
        %dma_start3A_110 = arith.constant 2 : i32
        %dma_start3A_111 = arith.constant 0 : i32
        %dma_start3A_112 = arith.constant 0 : i32
        %dma_start3A_113 = tpu.memref_slice %arg9[%dma_start3A_109, %dma_start3A_111, %dma_start3A_112] : memref<3x128x64xf32, #tpu.memory_space<vmem>> -> memref<1x128x64xf32, #tpu.memory_space<vmem>>
        %dma_start3A_114 = tpu.memref_squeeze %dma_start3A_113 : memref<1x128x64xf32, #tpu.memory_space<vmem>> -> memref<128x64xf32, #tpu.memory_space<vmem>>
        %dma_start3A_115 = arith.constant 0 : i32
        %dma_start3A_116 = tpu.memref_slice %arg7[%add3A_108, %dma_start3A_115] : memref<93x128xi32, #tpu.memory_space<vmem>> -> memref<1x128xi32, #tpu.memory_space<vmem>>
        %dma_start3A_117 = tpu.memref_squeeze %dma_start3A_116 : memref<1x128xi32, #tpu.memory_space<vmem>> -> memref<128xi32, #tpu.memory_space<vmem>>
        %dma_start3A_118 = arith.constant 0 : i32
        %dma_start3A_119 = arith.constant 0 : i32
        %dma_start3A_120 = tpu.memref_slice %arg11[%dma_start3A_118, %dma_start3A_119] : memref<10112x64xf32, #tpu.memory_space<vmem_shared>> -> memref<10112x64xf32, #tpu.memory_space<vmem_shared>>
        %dma_start3A_121 = tpu.memref_slice %arg12[%dma_start3A_110] : memref<3x!tpu.dma_semaphore, #tpu.memory_space<semaphore_mem>> -> memref<1x!tpu.dma_semaphore, #tpu.memory_space<semaphore_mem>>
        %dma_start3A_122 = tpu.memref_squeeze %dma_start3A_121 : memref<1x!tpu.dma_semaphore, #tpu.memory_space<semaphore_mem>> -> memref<!tpu.dma_semaphore, #tpu.memory_space<semaphore_mem>>
        tpu.enqueue_indirect_dma source(%dma_start3A_120 : memref<10112x64xf32, #tpu.memory_space<vmem_shared>>) target(%dma_start3A_114 : memref<128x64xf32, #tpu.memory_space<vmem>>) offsets(%dma_start3A_117 : memref<128xi32, #tpu.memory_space<vmem>>) semaphore(%dma_start3A_122 : memref<!tpu.dma_semaphore, #tpu.memory_space<semaphore_mem>>)
        %dma_wait3A_123 = arith.constant 0 : i32
        %dma_wait3A_124 = arith.constant 0 : i32
        %dma_wait3A_125 = arith.constant 0 : i32
        %dma_wait3A_126 = arith.constant 0 : i32
        %dma_wait3A_127 = tpu.memref_slice %arg9[%dma_wait3A_123, %dma_wait3A_125, %dma_wait3A_126] : memref<3x128x64xf32, #tpu.memory_space<vmem>> -> memref<1x128x64xf32, #tpu.memory_space<vmem>>
        %dma_wait3A_128 = tpu.memref_squeeze %dma_wait3A_127 : memref<1x128x64xf32, #tpu.memory_space<vmem>> -> memref<128x64xf32, #tpu.memory_space<vmem>>
        %dma_wait3A_129 = arith.constant 0 : i32
        %dma_wait3A_130 = tpu.memref_slice %arg7[%add3A_76, %dma_wait3A_129] : memref<93x128xi32, #tpu.memory_space<vmem>> -> memref<1x128xi32, #tpu.memory_space<vmem>>
        %dma_wait3A_131 = tpu.memref_squeeze %dma_wait3A_130 : memref<1x128xi32, #tpu.memory_space<vmem>> -> memref<128xi32, #tpu.memory_space<vmem>>
        %dma_wait3A_132 = arith.constant 0 : i32
        %dma_wait3A_133 = arith.constant 0 : i32
        %dma_wait3A_134 = tpu.memref_slice %arg11[%dma_wait3A_132, %dma_wait3A_133] : memref<10112x64xf32, #tpu.memory_space<vmem_shared>> -> memref<10112x64xf32, #tpu.memory_space<vmem_shared>>
        %dma_wait3A_135 = tpu.memref_slice %arg12[%dma_wait3A_124] : memref<3x!tpu.dma_semaphore, #tpu.memory_space<semaphore_mem>> -> memref<1x!tpu.dma_semaphore, #tpu.memory_space<semaphore_mem>>
        %dma_wait3A_136 = tpu.memref_squeeze %dma_wait3A_135 : memref<1x!tpu.dma_semaphore, #tpu.memory_space<semaphore_mem>> -> memref<!tpu.dma_semaphore, #tpu.memory_space<semaphore_mem>>
        tpu.wait_indirect_dma semaphore(%dma_wait3A_136 : memref<!tpu.dma_semaphore, #tpu.memory_space<semaphore_mem>>) src(%dma_wait3A_134 : memref<10112x64xf32, #tpu.memory_space<vmem_shared>>) dst(%dma_wait3A_128 : memref<128x64xf32, #tpu.memory_space<vmem>>)
        %add3A_137 = arith.constant 0 : i32
        %add3A_138 = arith.addi %mul3A_74, %add3A_137 : i32
        %dma_start3A_139 = arith.constant 0 : i32
        %dma_start3A_140 = arith.constant 0 : i32
        %dma_start3A_141 = arith.constant 0 : i32
        %dma_start3A_142 = tpu.memref_slice %arg9[%dma_start3A_139, %dma_start3A_140, %dma_start3A_141] : memref<3x128x64xf32, #tpu.memory_space<vmem>> -> memref<1x128x64xf32, #tpu.memory_space<vmem>>
        %dma_start3A_143 = tpu.memref_squeeze %dma_start3A_142 : memref<1x128x64xf32, #tpu.memory_space<vmem>> -> memref<128x64xf32, #tpu.memory_space<vmem>>
        %dma_start3A_144 = arith.constant 0 : i32
        %dma_start3A_145 = tpu.memref_slice %arg8[%add3A_138, %dma_start3A_144] : memref<93x128xi32, #tpu.memory_space<vmem>> -> memref<1x128xi32, #tpu.memory_space<vmem>>
        %dma_start3A_146 = tpu.memref_squeeze %dma_start3A_145 : memref<1x128xi32, #tpu.memory_space<vmem>> -> memref<128xi32, #tpu.memory_space<vmem>>
        %dma_start3A_147 = arith.constant 0 : i32
        %dma_start3A_148 = arith.constant 0 : i32
        %dma_start3A_149 = tpu.memref_slice %arg10[%dma_start3A_147, %dma_start3A_148] : memref<10112x64xf32, #tpu.memory_space<vmem_shared>> -> memref<10112x64xf32, #tpu.memory_space<vmem_shared>>
        tpu.enqueue_indirect_dma source(%dma_start3A_143 : memref<128x64xf32, #tpu.memory_space<vmem>>) target(%dma_start3A_149 : memref<10112x64xf32, #tpu.memory_space<vmem_shared>>) offsets(%dma_start3A_146 : memref<128xi32, #tpu.memory_space<vmem>>) semaphore(%arg13 : memref<!tpu.dma_semaphore, #tpu.memory_space<semaphore_mem>>) {add = true}
        %dma_wait3A_150 = arith.constant 1 : i32
        %dma_wait3A_151 = arith.constant 1 : i32
        %dma_wait3A_152 = arith.constant 0 : i32
        %dma_wait3A_153 = arith.constant 0 : i32
        %dma_wait3A_154 = tpu.memref_slice %arg9[%dma_wait3A_150, %dma_wait3A_152, %dma_wait3A_153] : memref<3x128x64xf32, #tpu.memory_space<vmem>> -> memref<1x128x64xf32, #tpu.memory_space<vmem>>
        %dma_wait3A_155 = tpu.memref_squeeze %dma_wait3A_154 : memref<1x128x64xf32, #tpu.memory_space<vmem>> -> memref<128x64xf32, #tpu.memory_space<vmem>>
        %dma_wait3A_156 = arith.constant 0 : i32
        %dma_wait3A_157 = tpu.memref_slice %arg7[%add3A_92, %dma_wait3A_156] : memref<93x128xi32, #tpu.memory_space<vmem>> -> memref<1x128xi32, #tpu.memory_space<vmem>>
        %dma_wait3A_158 = tpu.memref_squeeze %dma_wait3A_157 : memref<1x128xi32, #tpu.memory_space<vmem>> -> memref<128xi32, #tpu.memory_space<vmem>>
        %dma_wait3A_159 = arith.constant 0 : i32
        %dma_wait3A_160 = arith.constant 0 : i32
        %dma_wait3A_161 = tpu.memref_slice %arg11[%dma_wait3A_159, %dma_wait3A_160] : memref<10112x64xf32, #tpu.memory_space<vmem_shared>> -> memref<10112x64xf32, #tpu.memory_space<vmem_shared>>
        %dma_wait3A_162 = tpu.memref_slice %arg12[%dma_wait3A_151] : memref<3x!tpu.dma_semaphore, #tpu.memory_space<semaphore_mem>> -> memref<1x!tpu.dma_semaphore, #tpu.memory_space<semaphore_mem>>
        %dma_wait3A_163 = tpu.memref_squeeze %dma_wait3A_162 : memref<1x!tpu.dma_semaphore, #tpu.memory_space<semaphore_mem>> -> memref<!tpu.dma_semaphore, #tpu.memory_space<semaphore_mem>>
        tpu.wait_indirect_dma semaphore(%dma_wait3A_163 : memref<!tpu.dma_semaphore, #tpu.memory_space<semaphore_mem>>) src(%dma_wait3A_161 : memref<10112x64xf32, #tpu.memory_space<vmem_shared>>) dst(%dma_wait3A_155 : memref<128x64xf32, #tpu.memory_space<vmem>>)
        %add3A_164 = arith.constant 1 : i32
        %add3A_165 = arith.addi %mul3A_74, %add3A_164 : i32
        %dma_start3A_166 = arith.constant 1 : i32
        %dma_start3A_167 = arith.constant 0 : i32
        %dma_start3A_168 = arith.constant 0 : i32
        %dma_start3A_169 = tpu.memref_slice %arg9[%dma_start3A_166, %dma_start3A_167, %dma_start3A_168] : memref<3x128x64xf32, #tpu.memory_space<vmem>> -> memref<1x128x64xf32, #tpu.memory_space<vmem>>
        %dma_start3A_170 = tpu.memref_squeeze %dma_start3A_169 : memref<1x128x64xf32, #tpu.memory_space<vmem>> -> memref<128x64xf32, #tpu.memory_space<vmem>>
        %dma_start3A_171 = arith.constant 0 : i32
        %dma_start3A_172 = tpu.memref_slice %arg8[%add3A_165, %dma_start3A_171] : memref<93x128xi32, #tpu.memory_space<vmem>> -> memref<1x128xi32, #tpu.memory_space<vmem>>
        %dma_start3A_173 = tpu.memref_squeeze %dma_start3A_172 : memref<1x128xi32, #tpu.memory_space<vmem>> -> memref<128xi32, #tpu.memory_space<vmem>>
        %dma_start3A_174 = arith.constant 0 : i32
        %dma_start3A_175 = arith.constant 0 : i32
        %dma_start3A_176 = tpu.memref_slice %arg10[%dma_start3A_174, %dma_start3A_175] : memref<10112x64xf32, #tpu.memory_space<vmem_shared>> -> memref<10112x64xf32, #tpu.memory_space<vmem_shared>>
        tpu.enqueue_indirect_dma source(%dma_start3A_170 : memref<128x64xf32, #tpu.memory_space<vmem>>) target(%dma_start3A_176 : memref<10112x64xf32, #tpu.memory_space<vmem_shared>>) offsets(%dma_start3A_173 : memref<128xi32, #tpu.memory_space<vmem>>) semaphore(%arg13 : memref<!tpu.dma_semaphore, #tpu.memory_space<semaphore_mem>>) {add = true}
        %dma_wait3A_177 = arith.constant 2 : i32
        %dma_wait3A_178 = arith.constant 2 : i32
        %dma_wait3A_179 = arith.constant 0 : i32
        %dma_wait3A_180 = arith.constant 0 : i32
        %dma_wait3A_181 = tpu.memref_slice %arg9[%dma_wait3A_177, %dma_wait3A_179, %dma_wait3A_180] : memref<3x128x64xf32, #tpu.memory_space<vmem>> -> memref<1x128x64xf32, #tpu.memory_space<vmem>>
        %dma_wait3A_182 = tpu.memref_squeeze %dma_wait3A_181 : memref<1x128x64xf32, #tpu.memory_space<vmem>> -> memref<128x64xf32, #tpu.memory_space<vmem>>
        %dma_wait3A_183 = arith.constant 0 : i32
        %dma_wait3A_184 = tpu.memref_slice %arg7[%add3A_108, %dma_wait3A_183] : memref<93x128xi32, #tpu.memory_space<vmem>> -> memref<1x128xi32, #tpu.memory_space<vmem>>
        %dma_wait3A_185 = tpu.memref_squeeze %dma_wait3A_184 : memref<1x128xi32, #tpu.memory_space<vmem>> -> memref<128xi32, #tpu.memory_space<vmem>>
        %dma_wait3A_186 = arith.constant 0 : i32
        %dma_wait3A_187 = arith.constant 0 : i32
        %dma_wait3A_188 = tpu.memref_slice %arg11[%dma_wait3A_186, %dma_wait3A_187] : memref<10112x64xf32, #tpu.memory_space<vmem_shared>> -> memref<10112x64xf32, #tpu.memory_space<vmem_shared>>
        %dma_wait3A_189 = tpu.memref_slice %arg12[%dma_wait3A_178] : memref<3x!tpu.dma_semaphore, #tpu.memory_space<semaphore_mem>> -> memref<1x!tpu.dma_semaphore, #tpu.memory_space<semaphore_mem>>
        %dma_wait3A_190 = tpu.memref_squeeze %dma_wait3A_189 : memref<1x!tpu.dma_semaphore, #tpu.memory_space<semaphore_mem>> -> memref<!tpu.dma_semaphore, #tpu.memory_space<semaphore_mem>>
        tpu.wait_indirect_dma semaphore(%dma_wait3A_190 : memref<!tpu.dma_semaphore, #tpu.memory_space<semaphore_mem>>) src(%dma_wait3A_188 : memref<10112x64xf32, #tpu.memory_space<vmem_shared>>) dst(%dma_wait3A_182 : memref<128x64xf32, #tpu.memory_space<vmem>>)
        %add3A_191 = arith.constant 2 : i32
        %add3A_192 = arith.addi %mul3A_74, %add3A_191 : i32
        %dma_start3A_193 = arith.constant 2 : i32
        %dma_start3A_194 = arith.constant 0 : i32
        %dma_start3A_195 = arith.constant 0 : i32
        %dma_start3A_196 = tpu.memref_slice %arg9[%dma_start3A_193, %dma_start3A_194, %dma_start3A_195] : memref<3x128x64xf32, #tpu.memory_space<vmem>> -> memref<1x128x64xf32, #tpu.memory_space<vmem>>
        %dma_start3A_197 = tpu.memref_squeeze %dma_start3A_196 : memref<1x128x64xf32, #tpu.memory_space<vmem>> -> memref<128x64xf32, #tpu.memory_space<vmem>>
        %dma_start3A_198 = arith.constant 0 : i32
        %dma_start3A_199 = tpu.memref_slice %arg8[%add3A_192, %dma_start3A_198] : memref<93x128xi32, #tpu.memory_space<vmem>> -> memref<1x128xi32, #tpu.memory_space<vmem>>
        %dma_start3A_200 = tpu.memref_squeeze %dma_start3A_199 : memref<1x128xi32, #tpu.memory_space<vmem>> -> memref<128xi32, #tpu.memory_space<vmem>>
        %dma_start3A_201 = arith.constant 0 : i32
        %dma_start3A_202 = arith.constant 0 : i32
        %dma_start3A_203 = tpu.memref_slice %arg10[%dma_start3A_201, %dma_start3A_202] : memref<10112x64xf32, #tpu.memory_space<vmem_shared>> -> memref<10112x64xf32, #tpu.memory_space<vmem_shared>>
        tpu.enqueue_indirect_dma source(%dma_start3A_197 : memref<128x64xf32, #tpu.memory_space<vmem>>) target(%dma_start3A_203 : memref<10112x64xf32, #tpu.memory_space<vmem_shared>>) offsets(%dma_start3A_200 : memref<128xi32, #tpu.memory_space<vmem>>) semaphore(%arg13 : memref<!tpu.dma_semaphore, #tpu.memory_space<semaphore_mem>>) {add = true}
        %dma_wait3A_204 = arith.constant 0 : i32
        %dma_wait3A_205 = arith.constant 0 : i32
        %dma_wait3A_206 = arith.constant 0 : i32
        %dma_wait3A_207 = tpu.memref_slice %arg9[%dma_wait3A_204, %dma_wait3A_205, %dma_wait3A_206] : memref<3x128x64xf32, #tpu.memory_space<vmem>> -> memref<1x128x64xf32, #tpu.memory_space<vmem>>
        %dma_wait3A_208 = tpu.memref_squeeze %dma_wait3A_207 : memref<1x128x64xf32, #tpu.memory_space<vmem>> -> memref<128x64xf32, #tpu.memory_space<vmem>>
        %dma_wait3A_209 = arith.constant 0 : i32
        %dma_wait3A_210 = tpu.memref_slice %arg8[%add3A_138, %dma_wait3A_209] : memref<93x128xi32, #tpu.memory_space<vmem>> -> memref<1x128xi32, #tpu.memory_space<vmem>>
        %dma_wait3A_211 = tpu.memref_squeeze %dma_wait3A_210 : memref<1x128xi32, #tpu.memory_space<vmem>> -> memref<128xi32, #tpu.memory_space<vmem>>
        %dma_wait3A_212 = arith.constant 0 : i32
        %dma_wait3A_213 = arith.constant 0 : i32
        %dma_wait3A_214 = tpu.memref_slice %arg10[%dma_wait3A_212, %dma_wait3A_213] : memref<10112x64xf32, #tpu.memory_space<vmem_shared>> -> memref<10112x64xf32, #tpu.memory_space<vmem_shared>>
        tpu.wait_indirect_dma semaphore(%arg13 : memref<!tpu.dma_semaphore, #tpu.memory_space<semaphore_mem>>) src(%dma_wait3A_208 : memref<128x64xf32, #tpu.memory_space<vmem>>) dst(%dma_wait3A_214 : memref<10112x64xf32, #tpu.memory_space<vmem_shared>>)
        %dma_wait3A_215 = arith.constant 1 : i32
        %dma_wait3A_216 = arith.constant 0 : i32
        %dma_wait3A_217 = arith.constant 0 : i32
        %dma_wait3A_218 = tpu.memref_slice %arg9[%dma_wait3A_215, %dma_wait3A_216, %dma_wait3A_217] : memref<3x128x64xf32, #tpu.memory_space<vmem>> -> memref<1x128x64xf32, #tpu.memory_space<vmem>>
        %dma_wait3A_219 = tpu.memref_squeeze %dma_wait3A_218 : memref<1x128x64xf32, #tpu.memory_space<vmem>> -> memref<128x64xf32, #tpu.memory_space<vmem>>
        %dma_wait3A_220 = arith.constant 0 : i32
        %dma_wait3A_221 = tpu.memref_slice %arg8[%add3A_165, %dma_wait3A_220] : memref<93x128xi32, #tpu.memory_space<vmem>> -> memref<1x128xi32, #tpu.memory_space<vmem>>
        %dma_wait3A_222 = tpu.memref_squeeze %dma_wait3A_221 : memref<1x128xi32, #tpu.memory_space<vmem>> -> memref<128xi32, #tpu.memory_space<vmem>>
        %dma_wait3A_223 = arith.constant 0 : i32
        %dma_wait3A_224 = arith.constant 0 : i32
        %dma_wait3A_225 = tpu.memref_slice %arg10[%dma_wait3A_223, %dma_wait3A_224] : memref<10112x64xf32, #tpu.memory_space<vmem_shared>> -> memref<10112x64xf32, #tpu.memory_space<vmem_shared>>
        tpu.wait_indirect_dma semaphore(%arg13 : memref<!tpu.dma_semaphore, #tpu.memory_space<semaphore_mem>>) src(%dma_wait3A_219 : memref<128x64xf32, #tpu.memory_space<vmem>>) dst(%dma_wait3A_225 : memref<10112x64xf32, #tpu.memory_space<vmem_shared>>)
        %dma_wait3A_226 = arith.constant 2 : i32
        %dma_wait3A_227 = arith.constant 0 : i32
        %dma_wait3A_228 = arith.constant 0 : i32
        %dma_wait3A_229 = tpu.memref_slice %arg9[%dma_wait3A_226, %dma_wait3A_227, %dma_wait3A_228] : memref<3x128x64xf32, #tpu.memory_space<vmem>> -> memref<1x128x64xf32, #tpu.memory_space<vmem>>
        %dma_wait3A_230 = tpu.memref_squeeze %dma_wait3A_229 : memref<1x128x64xf32, #tpu.memory_space<vmem>> -> memref<128x64xf32, #tpu.memory_space<vmem>>
        %dma_wait3A_231 = arith.constant 0 : i32
        %dma_wait3A_232 = tpu.memref_slice %arg8[%add3A_192, %dma_wait3A_231] : memref<93x128xi32, #tpu.memory_space<vmem>> -> memref<1x128xi32, #tpu.memory_space<vmem>>
        %dma_wait3A_233 = tpu.memref_squeeze %dma_wait3A_232 : memref<1x128xi32, #tpu.memory_space<vmem>> -> memref<128xi32, #tpu.memory_space<vmem>>
        %dma_wait3A_234 = arith.constant 0 : i32
        %dma_wait3A_235 = arith.constant 0 : i32
        %dma_wait3A_236 = tpu.memref_slice %arg10[%dma_wait3A_234, %dma_wait3A_235] : memref<10112x64xf32, #tpu.memory_space<vmem_shared>> -> memref<10112x64xf32, #tpu.memory_space<vmem_shared>>
        tpu.wait_indirect_dma semaphore(%arg13 : memref<!tpu.dma_semaphore, #tpu.memory_space<semaphore_mem>>) src(%dma_wait3A_230 : memref<128x64xf32, #tpu.memory_space<vmem>>) dst(%dma_wait3A_236 : memref<10112x64xf32, #tpu.memory_space<vmem_shared>>)
      }
      %scan3A_71 = arith.constant 23 : i32
    } else {
    }
    %barrier3A_62 = arith.constant 0 : index
    tpu.barrier barrier_id(%barrier3A_62)
    "tpu.trace_stop"() : () -> ()
    "tpu.trace_start"() <{level = 10 : i32, message = "segsum_drain"}> : () -> ()
    %mul3A_63 = arith.constant 632 : i32
    %mul3A_64 = arith.muli %arg1, %mul3A_63 : i32
    %mul3A_65 = arith.constant 632 : i32
    %mul3A_66 = arith.muli %arg1, %mul3A_65 : i32
    "tpu.region"() ({
      %run_scoped3A = tpu.sem_alloc : memref<!tpu.dma_semaphore, #tpu.memory_space<semaphore_mem>>
      %dma_start3A_67 = arith.constant 0 : i32
      %dma_start3A_68 = tpu.memref_slice %arg6[%arg0, %mul3A_66, %dma_start3A_67] : memref<2x10112x64xf32, #tpu.memory_space<hbm>> -> memref<1x632x64xf32, #tpu.memory_space<hbm>>
      %dma_start3A_69 = tpu.memref_squeeze %dma_start3A_68 : memref<1x632x64xf32, #tpu.memory_space<hbm>> -> memref<632x64xf32, #tpu.memory_space<hbm>>
      %dma_start3A_70 = arith.constant 0 : i32
      %dma_start3A_71 = tpu.memref_slice %arg10[%mul3A_64, %dma_start3A_70] : memref<10112x64xf32, #tpu.memory_space<vmem_shared>> -> memref<632x64xf32, #tpu.memory_space<vmem_shared>>
      tpu.enqueue_dma source(%dma_start3A_71 : memref<632x64xf32, #tpu.memory_space<vmem_shared>>) target(%dma_start3A_69 : memref<632x64xf32, #tpu.memory_space<hbm>>) target_semaphore(%run_scoped3A : memref<!tpu.dma_semaphore, #tpu.memory_space<semaphore_mem>>)
      %dma_wait3A_72 = arith.constant 0 : i32
      %dma_wait3A_73 = tpu.memref_slice %arg6[%arg0, %mul3A_66, %dma_wait3A_72] : memref<2x10112x64xf32, #tpu.memory_space<hbm>> -> memref<1x632x64xf32, #tpu.memory_space<hbm>>
      %dma_wait3A_74 = tpu.memref_squeeze %dma_wait3A_73 : memref<1x632x64xf32, #tpu.memory_space<hbm>> -> memref<632x64xf32, #tpu.memory_space<hbm>>
      %dma_wait3A_75 = arith.constant 0 : i32
      %dma_wait3A_76 = tpu.memref_slice %arg10[%mul3A_64, %dma_wait3A_75] : memref<10112x64xf32, #tpu.memory_space<vmem_shared>> -> memref<632x64xf32, #tpu.memory_space<vmem_shared>>
      tpu.wait_dma2 semaphore(%run_scoped3A : memref<!tpu.dma_semaphore, #tpu.memory_space<semaphore_mem>>) src(%dma_wait3A_76 : memref<632x64xf32, #tpu.memory_space<vmem_shared>>) dst(%dma_wait3A_74 : memref<632x64xf32, #tpu.memory_space<hbm>>)
      tpu.yield
    }) : () -> ()
    "tpu.trace_stop"() : () -> ()
    return
  }
}

#map = affine_map<(d0, d1) -> (0, 0)>
#map1 = affine_map<(d0, d1) -> (0, 0, 0)>
module attributes {stable_mosaic.version = 14 : i64} {
  func.func @_segsum_sc(%arg0: i32, %arg1: i32, %arg2: memref<10112x64xf32, #tpu.memory_space<hbm>>, %arg3: memref<32x93x128xi32, #tpu.memory_space<hbm>>, %arg4: memref<32x93x128xi32, #tpu.memory_space<hbm>>, %arg5: memref<10112x64xf32, #tpu.memory_space<hbm>>, %arg6: memref<2x10112x64xf32, #tpu.memory_space<hbm>>, %arg7: memref<93x128xi32, #tpu.memory_space<vmem>>, %arg8: memref<93x128xi32, #tpu.memory_space<vmem>>, %arg9: memref<3x128x64xf32, #tpu.memory_space<vmem>>, %arg10: memref<10112x64xf32, #tpu.memory_space<vmem_shared>>, %arg11: memref<10112x64xf32, #tpu.memory_space<vmem_shared>>, %arg12: memref<3x!tpu.dma_semaphore, #tpu.memory_space<semaphore_mem>>, %arg13: memref<!tpu.dma_semaphore, #tpu.memory_space<semaphore_mem>>) attributes {dimension_semantics = [#tpu.dimension_semantics<core_parallel>, #tpu.dimension_semantics<subcore_parallel>], iteration_bounds = array<i64: 2, 16>, scalar_prefetch = 0 : i64, scratch_operands = 7 : i64, tpu.core_type = #tpu.core_type<sc_vector_subcore>, window_params = [{transform_indices = #map}, {transform_indices = #map1}, {transform_indices = #map1}, {transform_indices = #map}, {transform_indices = #map1}]} {
    "tpu.trace_start"() <{level = 10 : i32, message = "segsum_stage"}> : () -> ()
    %mul3A = arith.constant 2 : i32
    %mul3A_0 = arith.muli %arg1, %mul3A : i32
    %add3A = arith.addi %mul3A_0, %arg0 : i32
    %mul3A_1 = arith.constant 632 : i32
    %mul3A_2 = arith.muli %arg1, %mul3A_1 : i32
    %mul3A_3 = arith.constant 632 : i32
    %mul3A_4 = arith.muli %arg1, %mul3A_3 : i32
    %dma_start3A = arith.constant 0 : i32
    %dma_start3A_5 = tpu.memref_slice %arg11[%mul3A_4, %dma_start3A] : memref<10112x64xf32, #tpu.memory_space<vmem_shared>> -> memref<632x64xf32, #tpu.memory_space<vmem_shared>>
    %dma_start3A_6 = arith.constant 0 : i32
    %dma_start3A_7 = tpu.memref_slice %arg2[%mul3A_2, %dma_start3A_6] : memref<10112x64xf32, #tpu.memory_space<hbm>> -> memref<632x64xf32, #tpu.memory_space<hbm>>
    tpu.enqueue_dma source(%dma_start3A_7 : memref<632x64xf32, #tpu.memory_space<hbm>>) target(%dma_start3A_5 : memref<632x64xf32, #tpu.memory_space<vmem_shared>>) target_semaphore(%arg13 : memref<!tpu.dma_semaphore, #tpu.memory_space<semaphore_mem>>)
    %mul3A_8 = arith.constant 632 : i32
    %mul3A_9 = arith.muli %arg1, %mul3A_8 : i32
    %mul3A_10 = arith.constant 632 : i32
    %mul3A_11 = arith.muli %arg1, %mul3A_10 : i32
    %dma_start3A_12 = arith.constant 0 : i32
    %dma_start3A_13 = tpu.memref_slice %arg10[%mul3A_11, %dma_start3A_12] : memref<10112x64xf32, #tpu.memory_space<vmem_shared>> -> memref<632x64xf32, #tpu.memory_space<vmem_shared>>
    %dma_start3A_14 = arith.constant 0 : i32
    %dma_start3A_15 = tpu.memref_slice %arg5[%mul3A_9, %dma_start3A_14] : memref<10112x64xf32, #tpu.memory_space<hbm>> -> memref<632x64xf32, #tpu.memory_space<hbm>>
    tpu.enqueue_dma source(%dma_start3A_15 : memref<632x64xf32, #tpu.memory_space<hbm>>) target(%dma_start3A_13 : memref<632x64xf32, #tpu.memory_space<vmem_shared>>) target_semaphore(%arg13 : memref<!tpu.dma_semaphore, #tpu.memory_space<semaphore_mem>>)
    %dma_start3A_16 = arith.constant 0 : i32
    %dma_start3A_17 = arith.constant 0 : i32
    %dma_start3A_18 = tpu.memref_slice %arg3[%add3A, %dma_start3A_16, %dma_start3A_17] : memref<32x93x128xi32, #tpu.memory_space<hbm>> -> memref<1x93x128xi32, #tpu.memory_space<hbm>>
    %dma_start3A_19 = tpu.memref_squeeze %dma_start3A_18 : memref<1x93x128xi32, #tpu.memory_space<hbm>> -> memref<93x128xi32, #tpu.memory_space<hbm>>
    %dma_start3A_20 = arith.constant 0 : i32
    %dma_start3A_21 = arith.constant 0 : i32
    %dma_start3A_22 = tpu.memref_slice %arg3[%add3A, %dma_start3A_20, %dma_start3A_21] : memref<32x93x128xi32, #tpu.memory_space<hbm>> -> memref<1x93x128xi32, #tpu.memory_space<hbm>>
    %dma_start3A_23 = tpu.memref_squeeze %dma_start3A_22 : memref<1x93x128xi32, #tpu.memory_space<hbm>> -> memref<93x128xi32, #tpu.memory_space<hbm>>
    tpu.enqueue_dma source(%dma_start3A_23 : memref<93x128xi32, #tpu.memory_space<hbm>>) target(%arg7 : memref<93x128xi32, #tpu.memory_space<vmem>>) target_semaphore(%arg13 : memref<!tpu.dma_semaphore, #tpu.memory_space<semaphore_mem>>)
    %dma_start3A_24 = arith.constant 0 : i32
    %dma_start3A_25 = arith.constant 0 : i32
    %dma_start3A_26 = tpu.memref_slice %arg4[%add3A, %dma_start3A_24, %dma_start3A_25] : memref<32x93x128xi32, #tpu.memory_space<hbm>> -> memref<1x93x128xi32, #tpu.memory_space<hbm>>
    %dma_start3A_27 = tpu.memref_squeeze %dma_start3A_26 : memref<1x93x128xi32, #tpu.memory_space<hbm>> -> memref<93x128xi32, #tpu.memory_space<hbm>>
    %dma_start3A_28 = arith.constant 0 : i32
    %dma_start3A_29 = arith.constant 0 : i32
    %dma_start3A_30 = tpu.memref_slice %arg4[%add3A, %dma_start3A_28, %dma_start3A_29] : memref<32x93x128xi32, #tpu.memory_space<hbm>> -> memref<1x93x128xi32, #tpu.memory_space<hbm>>
    %dma_start3A_31 = tpu.memref_squeeze %dma_start3A_30 : memref<1x93x128xi32, #tpu.memory_space<hbm>> -> memref<93x128xi32, #tpu.memory_space<hbm>>
    tpu.enqueue_dma source(%dma_start3A_31 : memref<93x128xi32, #tpu.memory_space<hbm>>) target(%arg8 : memref<93x128xi32, #tpu.memory_space<vmem>>) target_semaphore(%arg13 : memref<!tpu.dma_semaphore, #tpu.memory_space<semaphore_mem>>)
    %dma_wait3A = arith.constant 0 : i32
    %dma_wait3A_32 = tpu.memref_slice %arg11[%mul3A_4, %dma_wait3A] : memref<10112x64xf32, #tpu.memory_space<vmem_shared>> -> memref<632x64xf32, #tpu.memory_space<vmem_shared>>
    %dma_wait3A_33 = arith.constant 0 : i32
    %dma_wait3A_34 = tpu.memref_slice %arg2[%mul3A_2, %dma_wait3A_33] : memref<10112x64xf32, #tpu.memory_space<hbm>> -> memref<632x64xf32, #tpu.memory_space<hbm>>
    tpu.wait_dma2 semaphore(%arg13 : memref<!tpu.dma_semaphore, #tpu.memory_space<semaphore_mem>>) src(%dma_wait3A_34 : memref<632x64xf32, #tpu.memory_space<hbm>>) dst(%dma_wait3A_32 : memref<632x64xf32, #tpu.memory_space<vmem_shared>>)
    %dma_wait3A_35 = arith.constant 0 : i32
    %dma_wait3A_36 = tpu.memref_slice %arg10[%mul3A_11, %dma_wait3A_35] : memref<10112x64xf32, #tpu.memory_space<vmem_shared>> -> memref<632x64xf32, #tpu.memory_space<vmem_shared>>
    %dma_wait3A_37 = arith.constant 0 : i32
    %dma_wait3A_38 = tpu.memref_slice %arg5[%mul3A_9, %dma_wait3A_37] : memref<10112x64xf32, #tpu.memory_space<hbm>> -> memref<632x64xf32, #tpu.memory_space<hbm>>
    tpu.wait_dma2 semaphore(%arg13 : memref<!tpu.dma_semaphore, #tpu.memory_space<semaphore_mem>>) src(%dma_wait3A_38 : memref<632x64xf32, #tpu.memory_space<hbm>>) dst(%dma_wait3A_36 : memref<632x64xf32, #tpu.memory_space<vmem_shared>>)
    %dma_wait3A_39 = arith.constant 0 : i32
    %dma_wait3A_40 = arith.constant 0 : i32
    %dma_wait3A_41 = tpu.memref_slice %arg3[%add3A, %dma_wait3A_39, %dma_wait3A_40] : memref<32x93x128xi32, #tpu.memory_space<hbm>> -> memref<1x93x128xi32, #tpu.memory_space<hbm>>
    %dma_wait3A_42 = tpu.memref_squeeze %dma_wait3A_41 : memref<1x93x128xi32, #tpu.memory_space<hbm>> -> memref<93x128xi32, #tpu.memory_space<hbm>>
    %dma_wait3A_43 = arith.constant 0 : i32
    %dma_wait3A_44 = arith.constant 0 : i32
    %dma_wait3A_45 = tpu.memref_slice %arg3[%add3A, %dma_wait3A_43, %dma_wait3A_44] : memref<32x93x128xi32, #tpu.memory_space<hbm>> -> memref<1x93x128xi32, #tpu.memory_space<hbm>>
    %dma_wait3A_46 = tpu.memref_squeeze %dma_wait3A_45 : memref<1x93x128xi32, #tpu.memory_space<hbm>> -> memref<93x128xi32, #tpu.memory_space<hbm>>
    tpu.wait_dma2 semaphore(%arg13 : memref<!tpu.dma_semaphore, #tpu.memory_space<semaphore_mem>>) src(%dma_wait3A_46 : memref<93x128xi32, #tpu.memory_space<hbm>>) dst(%arg7 : memref<93x128xi32, #tpu.memory_space<vmem>>)
    %dma_wait3A_47 = arith.constant 0 : i32
    %dma_wait3A_48 = arith.constant 0 : i32
    %dma_wait3A_49 = tpu.memref_slice %arg4[%add3A, %dma_wait3A_47, %dma_wait3A_48] : memref<32x93x128xi32, #tpu.memory_space<hbm>> -> memref<1x93x128xi32, #tpu.memory_space<hbm>>
    %dma_wait3A_50 = tpu.memref_squeeze %dma_wait3A_49 : memref<1x93x128xi32, #tpu.memory_space<hbm>> -> memref<93x128xi32, #tpu.memory_space<hbm>>
    %dma_wait3A_51 = arith.constant 0 : i32
    %dma_wait3A_52 = arith.constant 0 : i32
    %dma_wait3A_53 = tpu.memref_slice %arg4[%add3A, %dma_wait3A_51, %dma_wait3A_52] : memref<32x93x128xi32, #tpu.memory_space<hbm>> -> memref<1x93x128xi32, #tpu.memory_space<hbm>>
    %dma_wait3A_54 = tpu.memref_squeeze %dma_wait3A_53 : memref<1x93x128xi32, #tpu.memory_space<hbm>> -> memref<93x128xi32, #tpu.memory_space<hbm>>
    tpu.wait_dma2 semaphore(%arg13 : memref<!tpu.dma_semaphore, #tpu.memory_space<semaphore_mem>>) src(%dma_wait3A_54 : memref<93x128xi32, #tpu.memory_space<hbm>>) dst(%arg8 : memref<93x128xi32, #tpu.memory_space<vmem>>)
    %barrier3A = arith.constant 0 : index
    tpu.barrier barrier_id(%barrier3A)
    %eq3A = arith.constant 0 : i32
    "tpu.trace_stop"() : () -> ()
    "tpu.trace_start"() <{level = 10 : i32, message = "segsum_edges"}> : () -> ()
    %eq3A_55 = arith.cmpi eq, %arg0, %eq3A : i32
    %convert_element_type3A = arith.extui %eq3A_55 : i1 to i32
    %cond3A = arith.constant 0 : i32
    %cond3A_56 = arith.cmpi ne, %convert_element_type3A, %cond3A : i32
    scf.if %cond3A_56 {
      %scan3A = arith.constant 0 : i32
      %scan3A_67 = arith.constant 0 : i32
      %scan3A_68 = arith.constant 31 : i32
      %scan3A_69 = arith.addi %scan3A_67, %scan3A_68 : i32
      %scan3A_70 = arith.constant 1 : i32
      scf.for %scan3A_72 = %scan3A_67 to %scan3A_69 step %scan3A_70  : i32 {
        %mul3A_73 = arith.constant 3 : i32
        %mul3A_74 = arith.muli %scan3A_72, %mul3A_73 : i32
        %add3A_75 = arith.constant 0 : i32
        %add3A_76 = arith.addi %mul3A_74, %add3A_75 : i32
        %dma_start3A_77 = arith.constant 0 : i32
        %dma_start3A_78 = arith.constant 0 : i32
        %dma_start3A_79 = arith.constant 0 : i32
        %dma_start3A_80 = arith.constant 0 : i32
        %dma_start3A_81 = tpu.memref_slice %arg9[%dma_start3A_77, %dma_start3A_79, %dma_start3A_80] : memref<3x128x64xf32, #tpu.memory_space<vmem>> -> memref<1x128x64xf32, #tpu.memory_space<vmem>>
        %dma_start3A_82 = tpu.memref_squeeze %dma_start3A_81 : memref<1x128x64xf32, #tpu.memory_space<vmem>> -> memref<128x64xf32, #tpu.memory_space<vmem>>
        %dma_start3A_83 = arith.constant 0 : i32
        %dma_start3A_84 = tpu.memref_slice %arg7[%add3A_76, %dma_start3A_83] : memref<93x128xi32, #tpu.memory_space<vmem>> -> memref<1x128xi32, #tpu.memory_space<vmem>>
        %dma_start3A_85 = tpu.memref_squeeze %dma_start3A_84 : memref<1x128xi32, #tpu.memory_space<vmem>> -> memref<128xi32, #tpu.memory_space<vmem>>
        %dma_start3A_86 = arith.constant 0 : i32
        %dma_start3A_87 = arith.constant 0 : i32
        %dma_start3A_88 = tpu.memref_slice %arg11[%dma_start3A_86, %dma_start3A_87] : memref<10112x64xf32, #tpu.memory_space<vmem_shared>> -> memref<10112x64xf32, #tpu.memory_space<vmem_shared>>
        %dma_start3A_89 = tpu.memref_slice %arg12[%dma_start3A_78] : memref<3x!tpu.dma_semaphore, #tpu.memory_space<semaphore_mem>> -> memref<1x!tpu.dma_semaphore, #tpu.memory_space<semaphore_mem>>
        %dma_start3A_90 = tpu.memref_squeeze %dma_start3A_89 : memref<1x!tpu.dma_semaphore, #tpu.memory_space<semaphore_mem>> -> memref<!tpu.dma_semaphore, #tpu.memory_space<semaphore_mem>>
        tpu.enqueue_indirect_dma source(%dma_start3A_88 : memref<10112x64xf32, #tpu.memory_space<vmem_shared>>) target(%dma_start3A_82 : memref<128x64xf32, #tpu.memory_space<vmem>>) offsets(%dma_start3A_85 : memref<128xi32, #tpu.memory_space<vmem>>) semaphore(%dma_start3A_90 : memref<!tpu.dma_semaphore, #tpu.memory_space<semaphore_mem>>)
        %add3A_91 = arith.constant 1 : i32
        %add3A_92 = arith.addi %mul3A_74, %add3A_91 : i32
        %dma_start3A_93 = arith.constant 1 : i32
        %dma_start3A_94 = arith.constant 1 : i32
        %dma_start3A_95 = arith.constant 0 : i32
        %dma_start3A_96 = arith.constant 0 : i32
        %dma_start3A_97 = tpu.memref_slice %arg9[%dma_start3A_93, %dma_start3A_95, %dma_start3A_96] : memref<3x128x64xf32, #tpu.memory_space<vmem>> -> memref<1x128x64xf32, #tpu.memory_space<vmem>>
        %dma_start3A_98 = tpu.memref_squeeze %dma_start3A_97 : memref<1x128x64xf32, #tpu.memory_space<vmem>> -> memref<128x64xf32, #tpu.memory_space<vmem>>
        %dma_start3A_99 = arith.constant 0 : i32
        %dma_start3A_100 = tpu.memref_slice %arg7[%add3A_92, %dma_start3A_99] : memref<93x128xi32, #tpu.memory_space<vmem>> -> memref<1x128xi32, #tpu.memory_space<vmem>>
        %dma_start3A_101 = tpu.memref_squeeze %dma_start3A_100 : memref<1x128xi32, #tpu.memory_space<vmem>> -> memref<128xi32, #tpu.memory_space<vmem>>
        %dma_start3A_102 = arith.constant 0 : i32
        %dma_start3A_103 = arith.constant 0 : i32
        %dma_start3A_104 = tpu.memref_slice %arg11[%dma_start3A_102, %dma_start3A_103] : memref<10112x64xf32, #tpu.memory_space<vmem_shared>> -> memref<10112x64xf32, #tpu.memory_space<vmem_shared>>
        %dma_start3A_105 = tpu.memref_slice %arg12[%dma_start3A_94] : memref<3x!tpu.dma_semaphore, #tpu.memory_space<semaphore_mem>> -> memref<1x!tpu.dma_semaphore, #tpu.memory_space<semaphore_mem>>
        %dma_start3A_106 = tpu.memref_squeeze %dma_start3A_105 : memref<1x!tpu.dma_semaphore, #tpu.memory_space<semaphore_mem>> -> memref<!tpu.dma_semaphore, #tpu.memory_space<semaphore_mem>>
        tpu.enqueue_indirect_dma source(%dma_start3A_104 : memref<10112x64xf32, #tpu.memory_space<vmem_shared>>) target(%dma_start3A_98 : memref<128x64xf32, #tpu.memory_space<vmem>>) offsets(%dma_start3A_101 : memref<128xi32, #tpu.memory_space<vmem>>) semaphore(%dma_start3A_106 : memref<!tpu.dma_semaphore, #tpu.memory_space<semaphore_mem>>)
        %add3A_107 = arith.constant 2 : i32
        %add3A_108 = arith.addi %mul3A_74, %add3A_107 : i32
        %dma_start3A_109 = arith.constant 2 : i32
        %dma_start3A_110 = arith.constant 2 : i32
        %dma_start3A_111 = arith.constant 0 : i32
        %dma_start3A_112 = arith.constant 0 : i32
        %dma_start3A_113 = tpu.memref_slice %arg9[%dma_start3A_109, %dma_start3A_111, %dma_start3A_112] : memref<3x128x64xf32, #tpu.memory_space<vmem>> -> memref<1x128x64xf32, #tpu.memory_space<vmem>>
        %dma_start3A_114 = tpu.memref_squeeze %dma_start3A_113 : memref<1x128x64xf32, #tpu.memory_space<vmem>> -> memref<128x64xf32, #tpu.memory_space<vmem>>
        %dma_start3A_115 = arith.constant 0 : i32
        %dma_start3A_116 = tpu.memref_slice %arg7[%add3A_108, %dma_start3A_115] : memref<93x128xi32, #tpu.memory_space<vmem>> -> memref<1x128xi32, #tpu.memory_space<vmem>>
        %dma_start3A_117 = tpu.memref_squeeze %dma_start3A_116 : memref<1x128xi32, #tpu.memory_space<vmem>> -> memref<128xi32, #tpu.memory_space<vmem>>
        %dma_start3A_118 = arith.constant 0 : i32
        %dma_start3A_119 = arith.constant 0 : i32
        %dma_start3A_120 = tpu.memref_slice %arg11[%dma_start3A_118, %dma_start3A_119] : memref<10112x64xf32, #tpu.memory_space<vmem_shared>> -> memref<10112x64xf32, #tpu.memory_space<vmem_shared>>
        %dma_start3A_121 = tpu.memref_slice %arg12[%dma_start3A_110] : memref<3x!tpu.dma_semaphore, #tpu.memory_space<semaphore_mem>> -> memref<1x!tpu.dma_semaphore, #tpu.memory_space<semaphore_mem>>
        %dma_start3A_122 = tpu.memref_squeeze %dma_start3A_121 : memref<1x!tpu.dma_semaphore, #tpu.memory_space<semaphore_mem>> -> memref<!tpu.dma_semaphore, #tpu.memory_space<semaphore_mem>>
        tpu.enqueue_indirect_dma source(%dma_start3A_120 : memref<10112x64xf32, #tpu.memory_space<vmem_shared>>) target(%dma_start3A_114 : memref<128x64xf32, #tpu.memory_space<vmem>>) offsets(%dma_start3A_117 : memref<128xi32, #tpu.memory_space<vmem>>) semaphore(%dma_start3A_122 : memref<!tpu.dma_semaphore, #tpu.memory_space<semaphore_mem>>)
        %dma_wait3A_123 = arith.constant 0 : i32
        %dma_wait3A_124 = arith.constant 0 : i32
        %dma_wait3A_125 = arith.constant 0 : i32
        %dma_wait3A_126 = arith.constant 0 : i32
        %dma_wait3A_127 = tpu.memref_slice %arg9[%dma_wait3A_123, %dma_wait3A_125, %dma_wait3A_126] : memref<3x128x64xf32, #tpu.memory_space<vmem>> -> memref<1x128x64xf32, #tpu.memory_space<vmem>>
        %dma_wait3A_128 = tpu.memref_squeeze %dma_wait3A_127 : memref<1x128x64xf32, #tpu.memory_space<vmem>> -> memref<128x64xf32, #tpu.memory_space<vmem>>
        %dma_wait3A_129 = arith.constant 0 : i32
        %dma_wait3A_130 = tpu.memref_slice %arg7[%add3A_76, %dma_wait3A_129] : memref<93x128xi32, #tpu.memory_space<vmem>> -> memref<1x128xi32, #tpu.memory_space<vmem>>
        %dma_wait3A_131 = tpu.memref_squeeze %dma_wait3A_130 : memref<1x128xi32, #tpu.memory_space<vmem>> -> memref<128xi32, #tpu.memory_space<vmem>>
        %dma_wait3A_132 = arith.constant 0 : i32
        %dma_wait3A_133 = arith.constant 0 : i32
        %dma_wait3A_134 = tpu.memref_slice %arg11[%dma_wait3A_132, %dma_wait3A_133] : memref<10112x64xf32, #tpu.memory_space<vmem_shared>> -> memref<10112x64xf32, #tpu.memory_space<vmem_shared>>
        %dma_wait3A_135 = tpu.memref_slice %arg12[%dma_wait3A_124] : memref<3x!tpu.dma_semaphore, #tpu.memory_space<semaphore_mem>> -> memref<1x!tpu.dma_semaphore, #tpu.memory_space<semaphore_mem>>
        %dma_wait3A_136 = tpu.memref_squeeze %dma_wait3A_135 : memref<1x!tpu.dma_semaphore, #tpu.memory_space<semaphore_mem>> -> memref<!tpu.dma_semaphore, #tpu.memory_space<semaphore_mem>>
        tpu.wait_indirect_dma semaphore(%dma_wait3A_136 : memref<!tpu.dma_semaphore, #tpu.memory_space<semaphore_mem>>) src(%dma_wait3A_134 : memref<10112x64xf32, #tpu.memory_space<vmem_shared>>) dst(%dma_wait3A_128 : memref<128x64xf32, #tpu.memory_space<vmem>>)
        %add3A_137 = arith.constant 0 : i32
        %add3A_138 = arith.addi %mul3A_74, %add3A_137 : i32
        %dma_start3A_139 = arith.constant 0 : i32
        %dma_start3A_140 = arith.constant 0 : i32
        %dma_start3A_141 = arith.constant 0 : i32
        %dma_start3A_142 = tpu.memref_slice %arg9[%dma_start3A_139, %dma_start3A_140, %dma_start3A_141] : memref<3x128x64xf32, #tpu.memory_space<vmem>> -> memref<1x128x64xf32, #tpu.memory_space<vmem>>
        %dma_start3A_143 = tpu.memref_squeeze %dma_start3A_142 : memref<1x128x64xf32, #tpu.memory_space<vmem>> -> memref<128x64xf32, #tpu.memory_space<vmem>>
        %dma_start3A_144 = arith.constant 0 : i32
        %dma_start3A_145 = tpu.memref_slice %arg8[%add3A_138, %dma_start3A_144] : memref<93x128xi32, #tpu.memory_space<vmem>> -> memref<1x128xi32, #tpu.memory_space<vmem>>
        %dma_start3A_146 = tpu.memref_squeeze %dma_start3A_145 : memref<1x128xi32, #tpu.memory_space<vmem>> -> memref<128xi32, #tpu.memory_space<vmem>>
        %dma_start3A_147 = arith.constant 0 : i32
        %dma_start3A_148 = arith.constant 0 : i32
        %dma_start3A_149 = tpu.memref_slice %arg10[%dma_start3A_147, %dma_start3A_148] : memref<10112x64xf32, #tpu.memory_space<vmem_shared>> -> memref<10112x64xf32, #tpu.memory_space<vmem_shared>>
        tpu.enqueue_indirect_dma source(%dma_start3A_143 : memref<128x64xf32, #tpu.memory_space<vmem>>) target(%dma_start3A_149 : memref<10112x64xf32, #tpu.memory_space<vmem_shared>>) offsets(%dma_start3A_146 : memref<128xi32, #tpu.memory_space<vmem>>) semaphore(%arg13 : memref<!tpu.dma_semaphore, #tpu.memory_space<semaphore_mem>>) {add = true}
        %dma_wait3A_150 = arith.constant 1 : i32
        %dma_wait3A_151 = arith.constant 1 : i32
        %dma_wait3A_152 = arith.constant 0 : i32
        %dma_wait3A_153 = arith.constant 0 : i32
        %dma_wait3A_154 = tpu.memref_slice %arg9[%dma_wait3A_150, %dma_wait3A_152, %dma_wait3A_153] : memref<3x128x64xf32, #tpu.memory_space<vmem>> -> memref<1x128x64xf32, #tpu.memory_space<vmem>>
        %dma_wait3A_155 = tpu.memref_squeeze %dma_wait3A_154 : memref<1x128x64xf32, #tpu.memory_space<vmem>> -> memref<128x64xf32, #tpu.memory_space<vmem>>
        %dma_wait3A_156 = arith.constant 0 : i32
        %dma_wait3A_157 = tpu.memref_slice %arg7[%add3A_92, %dma_wait3A_156] : memref<93x128xi32, #tpu.memory_space<vmem>> -> memref<1x128xi32, #tpu.memory_space<vmem>>
        %dma_wait3A_158 = tpu.memref_squeeze %dma_wait3A_157 : memref<1x128xi32, #tpu.memory_space<vmem>> -> memref<128xi32, #tpu.memory_space<vmem>>
        %dma_wait3A_159 = arith.constant 0 : i32
        %dma_wait3A_160 = arith.constant 0 : i32
        %dma_wait3A_161 = tpu.memref_slice %arg11[%dma_wait3A_159, %dma_wait3A_160] : memref<10112x64xf32, #tpu.memory_space<vmem_shared>> -> memref<10112x64xf32, #tpu.memory_space<vmem_shared>>
        %dma_wait3A_162 = tpu.memref_slice %arg12[%dma_wait3A_151] : memref<3x!tpu.dma_semaphore, #tpu.memory_space<semaphore_mem>> -> memref<1x!tpu.dma_semaphore, #tpu.memory_space<semaphore_mem>>
        %dma_wait3A_163 = tpu.memref_squeeze %dma_wait3A_162 : memref<1x!tpu.dma_semaphore, #tpu.memory_space<semaphore_mem>> -> memref<!tpu.dma_semaphore, #tpu.memory_space<semaphore_mem>>
        tpu.wait_indirect_dma semaphore(%dma_wait3A_163 : memref<!tpu.dma_semaphore, #tpu.memory_space<semaphore_mem>>) src(%dma_wait3A_161 : memref<10112x64xf32, #tpu.memory_space<vmem_shared>>) dst(%dma_wait3A_155 : memref<128x64xf32, #tpu.memory_space<vmem>>)
        %add3A_164 = arith.constant 1 : i32
        %add3A_165 = arith.addi %mul3A_74, %add3A_164 : i32
        %dma_start3A_166 = arith.constant 1 : i32
        %dma_start3A_167 = arith.constant 0 : i32
        %dma_start3A_168 = arith.constant 0 : i32
        %dma_start3A_169 = tpu.memref_slice %arg9[%dma_start3A_166, %dma_start3A_167, %dma_start3A_168] : memref<3x128x64xf32, #tpu.memory_space<vmem>> -> memref<1x128x64xf32, #tpu.memory_space<vmem>>
        %dma_start3A_170 = tpu.memref_squeeze %dma_start3A_169 : memref<1x128x64xf32, #tpu.memory_space<vmem>> -> memref<128x64xf32, #tpu.memory_space<vmem>>
        %dma_start3A_171 = arith.constant 0 : i32
        %dma_start3A_172 = tpu.memref_slice %arg8[%add3A_165, %dma_start3A_171] : memref<93x128xi32, #tpu.memory_space<vmem>> -> memref<1x128xi32, #tpu.memory_space<vmem>>
        %dma_start3A_173 = tpu.memref_squeeze %dma_start3A_172 : memref<1x128xi32, #tpu.memory_space<vmem>> -> memref<128xi32, #tpu.memory_space<vmem>>
        %dma_start3A_174 = arith.constant 0 : i32
        %dma_start3A_175 = arith.constant 0 : i32
        %dma_start3A_176 = tpu.memref_slice %arg10[%dma_start3A_174, %dma_start3A_175] : memref<10112x64xf32, #tpu.memory_space<vmem_shared>> -> memref<10112x64xf32, #tpu.memory_space<vmem_shared>>
        tpu.enqueue_indirect_dma source(%dma_start3A_170 : memref<128x64xf32, #tpu.memory_space<vmem>>) target(%dma_start3A_176 : memref<10112x64xf32, #tpu.memory_space<vmem_shared>>) offsets(%dma_start3A_173 : memref<128xi32, #tpu.memory_space<vmem>>) semaphore(%arg13 : memref<!tpu.dma_semaphore, #tpu.memory_space<semaphore_mem>>) {add = true}
        %dma_wait3A_177 = arith.constant 2 : i32
        %dma_wait3A_178 = arith.constant 2 : i32
        %dma_wait3A_179 = arith.constant 0 : i32
        %dma_wait3A_180 = arith.constant 0 : i32
        %dma_wait3A_181 = tpu.memref_slice %arg9[%dma_wait3A_177, %dma_wait3A_179, %dma_wait3A_180] : memref<3x128x64xf32, #tpu.memory_space<vmem>> -> memref<1x128x64xf32, #tpu.memory_space<vmem>>
        %dma_wait3A_182 = tpu.memref_squeeze %dma_wait3A_181 : memref<1x128x64xf32, #tpu.memory_space<vmem>> -> memref<128x64xf32, #tpu.memory_space<vmem>>
        %dma_wait3A_183 = arith.constant 0 : i32
        %dma_wait3A_184 = tpu.memref_slice %arg7[%add3A_108, %dma_wait3A_183] : memref<93x128xi32, #tpu.memory_space<vmem>> -> memref<1x128xi32, #tpu.memory_space<vmem>>
        %dma_wait3A_185 = tpu.memref_squeeze %dma_wait3A_184 : memref<1x128xi32, #tpu.memory_space<vmem>> -> memref<128xi32, #tpu.memory_space<vmem>>
        %dma_wait3A_186 = arith.constant 0 : i32
        %dma_wait3A_187 = arith.constant 0 : i32
        %dma_wait3A_188 = tpu.memref_slice %arg11[%dma_wait3A_186, %dma_wait3A_187] : memref<10112x64xf32, #tpu.memory_space<vmem_shared>> -> memref<10112x64xf32, #tpu.memory_space<vmem_shared>>
        %dma_wait3A_189 = tpu.memref_slice %arg12[%dma_wait3A_178] : memref<3x!tpu.dma_semaphore, #tpu.memory_space<semaphore_mem>> -> memref<1x!tpu.dma_semaphore, #tpu.memory_space<semaphore_mem>>
        %dma_wait3A_190 = tpu.memref_squeeze %dma_wait3A_189 : memref<1x!tpu.dma_semaphore, #tpu.memory_space<semaphore_mem>> -> memref<!tpu.dma_semaphore, #tpu.memory_space<semaphore_mem>>
        tpu.wait_indirect_dma semaphore(%dma_wait3A_190 : memref<!tpu.dma_semaphore, #tpu.memory_space<semaphore_mem>>) src(%dma_wait3A_188 : memref<10112x64xf32, #tpu.memory_space<vmem_shared>>) dst(%dma_wait3A_182 : memref<128x64xf32, #tpu.memory_space<vmem>>)
        %add3A_191 = arith.constant 2 : i32
        %add3A_192 = arith.addi %mul3A_74, %add3A_191 : i32
        %dma_start3A_193 = arith.constant 2 : i32
        %dma_start3A_194 = arith.constant 0 : i32
        %dma_start3A_195 = arith.constant 0 : i32
        %dma_start3A_196 = tpu.memref_slice %arg9[%dma_start3A_193, %dma_start3A_194, %dma_start3A_195] : memref<3x128x64xf32, #tpu.memory_space<vmem>> -> memref<1x128x64xf32, #tpu.memory_space<vmem>>
        %dma_start3A_197 = tpu.memref_squeeze %dma_start3A_196 : memref<1x128x64xf32, #tpu.memory_space<vmem>> -> memref<128x64xf32, #tpu.memory_space<vmem>>
        %dma_start3A_198 = arith.constant 0 : i32
        %dma_start3A_199 = tpu.memref_slice %arg8[%add3A_192, %dma_start3A_198] : memref<93x128xi32, #tpu.memory_space<vmem>> -> memref<1x128xi32, #tpu.memory_space<vmem>>
        %dma_start3A_200 = tpu.memref_squeeze %dma_start3A_199 : memref<1x128xi32, #tpu.memory_space<vmem>> -> memref<128xi32, #tpu.memory_space<vmem>>
        %dma_start3A_201 = arith.constant 0 : i32
        %dma_start3A_202 = arith.constant 0 : i32
        %dma_start3A_203 = tpu.memref_slice %arg10[%dma_start3A_201, %dma_start3A_202] : memref<10112x64xf32, #tpu.memory_space<vmem_shared>> -> memref<10112x64xf32, #tpu.memory_space<vmem_shared>>
        tpu.enqueue_indirect_dma source(%dma_start3A_197 : memref<128x64xf32, #tpu.memory_space<vmem>>) target(%dma_start3A_203 : memref<10112x64xf32, #tpu.memory_space<vmem_shared>>) offsets(%dma_start3A_200 : memref<128xi32, #tpu.memory_space<vmem>>) semaphore(%arg13 : memref<!tpu.dma_semaphore, #tpu.memory_space<semaphore_mem>>) {add = true}
        %dma_wait3A_204 = arith.constant 0 : i32
        %dma_wait3A_205 = arith.constant 0 : i32
        %dma_wait3A_206 = arith.constant 0 : i32
        %dma_wait3A_207 = tpu.memref_slice %arg9[%dma_wait3A_204, %dma_wait3A_205, %dma_wait3A_206] : memref<3x128x64xf32, #tpu.memory_space<vmem>> -> memref<1x128x64xf32, #tpu.memory_space<vmem>>
        %dma_wait3A_208 = tpu.memref_squeeze %dma_wait3A_207 : memref<1x128x64xf32, #tpu.memory_space<vmem>> -> memref<128x64xf32, #tpu.memory_space<vmem>>
        %dma_wait3A_209 = arith.constant 0 : i32
        %dma_wait3A_210 = tpu.memref_slice %arg8[%add3A_138, %dma_wait3A_209] : memref<93x128xi32, #tpu.memory_space<vmem>> -> memref<1x128xi32, #tpu.memory_space<vmem>>
        %dma_wait3A_211 = tpu.memref_squeeze %dma_wait3A_210 : memref<1x128xi32, #tpu.memory_space<vmem>> -> memref<128xi32, #tpu.memory_space<vmem>>
        %dma_wait3A_212 = arith.constant 0 : i32
        %dma_wait3A_213 = arith.constant 0 : i32
        %dma_wait3A_214 = tpu.memref_slice %arg10[%dma_wait3A_212, %dma_wait3A_213] : memref<10112x64xf32, #tpu.memory_space<vmem_shared>> -> memref<10112x64xf32, #tpu.memory_space<vmem_shared>>
        tpu.wait_indirect_dma semaphore(%arg13 : memref<!tpu.dma_semaphore, #tpu.memory_space<semaphore_mem>>) src(%dma_wait3A_208 : memref<128x64xf32, #tpu.memory_space<vmem>>) dst(%dma_wait3A_214 : memref<10112x64xf32, #tpu.memory_space<vmem_shared>>)
        %dma_wait3A_215 = arith.constant 1 : i32
        %dma_wait3A_216 = arith.constant 0 : i32
        %dma_wait3A_217 = arith.constant 0 : i32
        %dma_wait3A_218 = tpu.memref_slice %arg9[%dma_wait3A_215, %dma_wait3A_216, %dma_wait3A_217] : memref<3x128x64xf32, #tpu.memory_space<vmem>> -> memref<1x128x64xf32, #tpu.memory_space<vmem>>
        %dma_wait3A_219 = tpu.memref_squeeze %dma_wait3A_218 : memref<1x128x64xf32, #tpu.memory_space<vmem>> -> memref<128x64xf32, #tpu.memory_space<vmem>>
        %dma_wait3A_220 = arith.constant 0 : i32
        %dma_wait3A_221 = tpu.memref_slice %arg8[%add3A_165, %dma_wait3A_220] : memref<93x128xi32, #tpu.memory_space<vmem>> -> memref<1x128xi32, #tpu.memory_space<vmem>>
        %dma_wait3A_222 = tpu.memref_squeeze %dma_wait3A_221 : memref<1x128xi32, #tpu.memory_space<vmem>> -> memref<128xi32, #tpu.memory_space<vmem>>
        %dma_wait3A_223 = arith.constant 0 : i32
        %dma_wait3A_224 = arith.constant 0 : i32
        %dma_wait3A_225 = tpu.memref_slice %arg10[%dma_wait3A_223, %dma_wait3A_224] : memref<10112x64xf32, #tpu.memory_space<vmem_shared>> -> memref<10112x64xf32, #tpu.memory_space<vmem_shared>>
        tpu.wait_indirect_dma semaphore(%arg13 : memref<!tpu.dma_semaphore, #tpu.memory_space<semaphore_mem>>) src(%dma_wait3A_219 : memref<128x64xf32, #tpu.memory_space<vmem>>) dst(%dma_wait3A_225 : memref<10112x64xf32, #tpu.memory_space<vmem_shared>>)
        %dma_wait3A_226 = arith.constant 2 : i32
        %dma_wait3A_227 = arith.constant 0 : i32
        %dma_wait3A_228 = arith.constant 0 : i32
        %dma_wait3A_229 = tpu.memref_slice %arg9[%dma_wait3A_226, %dma_wait3A_227, %dma_wait3A_228] : memref<3x128x64xf32, #tpu.memory_space<vmem>> -> memref<1x128x64xf32, #tpu.memory_space<vmem>>
        %dma_wait3A_230 = tpu.memref_squeeze %dma_wait3A_229 : memref<1x128x64xf32, #tpu.memory_space<vmem>> -> memref<128x64xf32, #tpu.memory_space<vmem>>
        %dma_wait3A_231 = arith.constant 0 : i32
        %dma_wait3A_232 = tpu.memref_slice %arg8[%add3A_192, %dma_wait3A_231] : memref<93x128xi32, #tpu.memory_space<vmem>> -> memref<1x128xi32, #tpu.memory_space<vmem>>
        %dma_wait3A_233 = tpu.memref_squeeze %dma_wait3A_232 : memref<1x128xi32, #tpu.memory_space<vmem>> -> memref<128xi32, #tpu.memory_space<vmem>>
        %dma_wait3A_234 = arith.constant 0 : i32
        %dma_wait3A_235 = arith.constant 0 : i32
        %dma_wait3A_236 = tpu.memref_slice %arg10[%dma_wait3A_234, %dma_wait3A_235] : memref<10112x64xf32, #tpu.memory_space<vmem_shared>> -> memref<10112x64xf32, #tpu.memory_space<vmem_shared>>
        tpu.wait_indirect_dma semaphore(%arg13 : memref<!tpu.dma_semaphore, #tpu.memory_space<semaphore_mem>>) src(%dma_wait3A_230 : memref<128x64xf32, #tpu.memory_space<vmem>>) dst(%dma_wait3A_236 : memref<10112x64xf32, #tpu.memory_space<vmem_shared>>)
      }
      %scan3A_71 = arith.constant 31 : i32
    } else {
    }
    %eq3A_57 = arith.constant 1 : i32
    %eq3A_58 = arith.cmpi eq, %arg0, %eq3A_57 : i32
    %convert_element_type3A_59 = arith.extui %eq3A_58 : i1 to i32
    %cond3A_60 = arith.constant 0 : i32
    %cond3A_61 = arith.cmpi ne, %convert_element_type3A_59, %cond3A_60 : i32
    scf.if %cond3A_61 {
      %scan3A = arith.constant 0 : i32
      %scan3A_67 = arith.constant 0 : i32
      %scan3A_68 = arith.constant 23 : i32
      %scan3A_69 = arith.addi %scan3A_67, %scan3A_68 : i32
      %scan3A_70 = arith.constant 1 : i32
      scf.for %scan3A_72 = %scan3A_67 to %scan3A_69 step %scan3A_70  : i32 {
        %mul3A_73 = arith.constant 3 : i32
        %mul3A_74 = arith.muli %scan3A_72, %mul3A_73 : i32
        %add3A_75 = arith.constant 0 : i32
        %add3A_76 = arith.addi %mul3A_74, %add3A_75 : i32
        %dma_start3A_77 = arith.constant 0 : i32
        %dma_start3A_78 = arith.constant 0 : i32
        %dma_start3A_79 = arith.constant 0 : i32
        %dma_start3A_80 = arith.constant 0 : i32
        %dma_start3A_81 = tpu.memref_slice %arg9[%dma_start3A_77, %dma_start3A_79, %dma_start3A_80] : memref<3x128x64xf32, #tpu.memory_space<vmem>> -> memref<1x128x64xf32, #tpu.memory_space<vmem>>
        %dma_start3A_82 = tpu.memref_squeeze %dma_start3A_81 : memref<1x128x64xf32, #tpu.memory_space<vmem>> -> memref<128x64xf32, #tpu.memory_space<vmem>>
        %dma_start3A_83 = arith.constant 0 : i32
        %dma_start3A_84 = tpu.memref_slice %arg7[%add3A_76, %dma_start3A_83] : memref<93x128xi32, #tpu.memory_space<vmem>> -> memref<1x128xi32, #tpu.memory_space<vmem>>
        %dma_start3A_85 = tpu.memref_squeeze %dma_start3A_84 : memref<1x128xi32, #tpu.memory_space<vmem>> -> memref<128xi32, #tpu.memory_space<vmem>>
        %dma_start3A_86 = arith.constant 0 : i32
        %dma_start3A_87 = arith.constant 0 : i32
        %dma_start3A_88 = tpu.memref_slice %arg11[%dma_start3A_86, %dma_start3A_87] : memref<10112x64xf32, #tpu.memory_space<vmem_shared>> -> memref<10112x64xf32, #tpu.memory_space<vmem_shared>>
        %dma_start3A_89 = tpu.memref_slice %arg12[%dma_start3A_78] : memref<3x!tpu.dma_semaphore, #tpu.memory_space<semaphore_mem>> -> memref<1x!tpu.dma_semaphore, #tpu.memory_space<semaphore_mem>>
        %dma_start3A_90 = tpu.memref_squeeze %dma_start3A_89 : memref<1x!tpu.dma_semaphore, #tpu.memory_space<semaphore_mem>> -> memref<!tpu.dma_semaphore, #tpu.memory_space<semaphore_mem>>
        tpu.enqueue_indirect_dma source(%dma_start3A_88 : memref<10112x64xf32, #tpu.memory_space<vmem_shared>>) target(%dma_start3A_82 : memref<128x64xf32, #tpu.memory_space<vmem>>) offsets(%dma_start3A_85 : memref<128xi32, #tpu.memory_space<vmem>>) semaphore(%dma_start3A_90 : memref<!tpu.dma_semaphore, #tpu.memory_space<semaphore_mem>>)
        %add3A_91 = arith.constant 1 : i32
        %add3A_92 = arith.addi %mul3A_74, %add3A_91 : i32
        %dma_start3A_93 = arith.constant 1 : i32
        %dma_start3A_94 = arith.constant 1 : i32
        %dma_start3A_95 = arith.constant 0 : i32
        %dma_start3A_96 = arith.constant 0 : i32
        %dma_start3A_97 = tpu.memref_slice %arg9[%dma_start3A_93, %dma_start3A_95, %dma_start3A_96] : memref<3x128x64xf32, #tpu.memory_space<vmem>> -> memref<1x128x64xf32, #tpu.memory_space<vmem>>
        %dma_start3A_98 = tpu.memref_squeeze %dma_start3A_97 : memref<1x128x64xf32, #tpu.memory_space<vmem>> -> memref<128x64xf32, #tpu.memory_space<vmem>>
        %dma_start3A_99 = arith.constant 0 : i32
        %dma_start3A_100 = tpu.memref_slice %arg7[%add3A_92, %dma_start3A_99] : memref<93x128xi32, #tpu.memory_space<vmem>> -> memref<1x128xi32, #tpu.memory_space<vmem>>
        %dma_start3A_101 = tpu.memref_squeeze %dma_start3A_100 : memref<1x128xi32, #tpu.memory_space<vmem>> -> memref<128xi32, #tpu.memory_space<vmem>>
        %dma_start3A_102 = arith.constant 0 : i32
        %dma_start3A_103 = arith.constant 0 : i32
        %dma_start3A_104 = tpu.memref_slice %arg11[%dma_start3A_102, %dma_start3A_103] : memref<10112x64xf32, #tpu.memory_space<vmem_shared>> -> memref<10112x64xf32, #tpu.memory_space<vmem_shared>>
        %dma_start3A_105 = tpu.memref_slice %arg12[%dma_start3A_94] : memref<3x!tpu.dma_semaphore, #tpu.memory_space<semaphore_mem>> -> memref<1x!tpu.dma_semaphore, #tpu.memory_space<semaphore_mem>>
        %dma_start3A_106 = tpu.memref_squeeze %dma_start3A_105 : memref<1x!tpu.dma_semaphore, #tpu.memory_space<semaphore_mem>> -> memref<!tpu.dma_semaphore, #tpu.memory_space<semaphore_mem>>
        tpu.enqueue_indirect_dma source(%dma_start3A_104 : memref<10112x64xf32, #tpu.memory_space<vmem_shared>>) target(%dma_start3A_98 : memref<128x64xf32, #tpu.memory_space<vmem>>) offsets(%dma_start3A_101 : memref<128xi32, #tpu.memory_space<vmem>>) semaphore(%dma_start3A_106 : memref<!tpu.dma_semaphore, #tpu.memory_space<semaphore_mem>>)
        %add3A_107 = arith.constant 2 : i32
        %add3A_108 = arith.addi %mul3A_74, %add3A_107 : i32
        %dma_start3A_109 = arith.constant 2 : i32
        %dma_start3A_110 = arith.constant 2 : i32
        %dma_start3A_111 = arith.constant 0 : i32
        %dma_start3A_112 = arith.constant 0 : i32
        %dma_start3A_113 = tpu.memref_slice %arg9[%dma_start3A_109, %dma_start3A_111, %dma_start3A_112] : memref<3x128x64xf32, #tpu.memory_space<vmem>> -> memref<1x128x64xf32, #tpu.memory_space<vmem>>
        %dma_start3A_114 = tpu.memref_squeeze %dma_start3A_113 : memref<1x128x64xf32, #tpu.memory_space<vmem>> -> memref<128x64xf32, #tpu.memory_space<vmem>>
        %dma_start3A_115 = arith.constant 0 : i32
        %dma_start3A_116 = tpu.memref_slice %arg7[%add3A_108, %dma_start3A_115] : memref<93x128xi32, #tpu.memory_space<vmem>> -> memref<1x128xi32, #tpu.memory_space<vmem>>
        %dma_start3A_117 = tpu.memref_squeeze %dma_start3A_116 : memref<1x128xi32, #tpu.memory_space<vmem>> -> memref<128xi32, #tpu.memory_space<vmem>>
        %dma_start3A_118 = arith.constant 0 : i32
        %dma_start3A_119 = arith.constant 0 : i32
        %dma_start3A_120 = tpu.memref_slice %arg11[%dma_start3A_118, %dma_start3A_119] : memref<10112x64xf32, #tpu.memory_space<vmem_shared>> -> memref<10112x64xf32, #tpu.memory_space<vmem_shared>>
        %dma_start3A_121 = tpu.memref_slice %arg12[%dma_start3A_110] : memref<3x!tpu.dma_semaphore, #tpu.memory_space<semaphore_mem>> -> memref<1x!tpu.dma_semaphore, #tpu.memory_space<semaphore_mem>>
        %dma_start3A_122 = tpu.memref_squeeze %dma_start3A_121 : memref<1x!tpu.dma_semaphore, #tpu.memory_space<semaphore_mem>> -> memref<!tpu.dma_semaphore, #tpu.memory_space<semaphore_mem>>
        tpu.enqueue_indirect_dma source(%dma_start3A_120 : memref<10112x64xf32, #tpu.memory_space<vmem_shared>>) target(%dma_start3A_114 : memref<128x64xf32, #tpu.memory_space<vmem>>) offsets(%dma_start3A_117 : memref<128xi32, #tpu.memory_space<vmem>>) semaphore(%dma_start3A_122 : memref<!tpu.dma_semaphore, #tpu.memory_space<semaphore_mem>>)
        %dma_wait3A_123 = arith.constant 0 : i32
        %dma_wait3A_124 = arith.constant 0 : i32
        %dma_wait3A_125 = arith.constant 0 : i32
        %dma_wait3A_126 = arith.constant 0 : i32
        %dma_wait3A_127 = tpu.memref_slice %arg9[%dma_wait3A_123, %dma_wait3A_125, %dma_wait3A_126] : memref<3x128x64xf32, #tpu.memory_space<vmem>> -> memref<1x128x64xf32, #tpu.memory_space<vmem>>
        %dma_wait3A_128 = tpu.memref_squeeze %dma_wait3A_127 : memref<1x128x64xf32, #tpu.memory_space<vmem>> -> memref<128x64xf32, #tpu.memory_space<vmem>>
        %dma_wait3A_129 = arith.constant 0 : i32
        %dma_wait3A_130 = tpu.memref_slice %arg7[%add3A_76, %dma_wait3A_129] : memref<93x128xi32, #tpu.memory_space<vmem>> -> memref<1x128xi32, #tpu.memory_space<vmem>>
        %dma_wait3A_131 = tpu.memref_squeeze %dma_wait3A_130 : memref<1x128xi32, #tpu.memory_space<vmem>> -> memref<128xi32, #tpu.memory_space<vmem>>
        %dma_wait3A_132 = arith.constant 0 : i32
        %dma_wait3A_133 = arith.constant 0 : i32
        %dma_wait3A_134 = tpu.memref_slice %arg11[%dma_wait3A_132, %dma_wait3A_133] : memref<10112x64xf32, #tpu.memory_space<vmem_shared>> -> memref<10112x64xf32, #tpu.memory_space<vmem_shared>>
        %dma_wait3A_135 = tpu.memref_slice %arg12[%dma_wait3A_124] : memref<3x!tpu.dma_semaphore, #tpu.memory_space<semaphore_mem>> -> memref<1x!tpu.dma_semaphore, #tpu.memory_space<semaphore_mem>>
        %dma_wait3A_136 = tpu.memref_squeeze %dma_wait3A_135 : memref<1x!tpu.dma_semaphore, #tpu.memory_space<semaphore_mem>> -> memref<!tpu.dma_semaphore, #tpu.memory_space<semaphore_mem>>
        tpu.wait_indirect_dma semaphore(%dma_wait3A_136 : memref<!tpu.dma_semaphore, #tpu.memory_space<semaphore_mem>>) src(%dma_wait3A_134 : memref<10112x64xf32, #tpu.memory_space<vmem_shared>>) dst(%dma_wait3A_128 : memref<128x64xf32, #tpu.memory_space<vmem>>)
        %add3A_137 = arith.constant 0 : i32
        %add3A_138 = arith.addi %mul3A_74, %add3A_137 : i32
        %dma_start3A_139 = arith.constant 0 : i32
        %dma_start3A_140 = arith.constant 0 : i32
        %dma_start3A_141 = arith.constant 0 : i32
        %dma_start3A_142 = tpu.memref_slice %arg9[%dma_start3A_139, %dma_start3A_140, %dma_start3A_141] : memref<3x128x64xf32, #tpu.memory_space<vmem>> -> memref<1x128x64xf32, #tpu.memory_space<vmem>>
        %dma_start3A_143 = tpu.memref_squeeze %dma_start3A_142 : memref<1x128x64xf32, #tpu.memory_space<vmem>> -> memref<128x64xf32, #tpu.memory_space<vmem>>
        %dma_start3A_144 = arith.constant 0 : i32
        %dma_start3A_145 = tpu.memref_slice %arg8[%add3A_138, %dma_start3A_144] : memref<93x128xi32, #tpu.memory_space<vmem>> -> memref<1x128xi32, #tpu.memory_space<vmem>>
        %dma_start3A_146 = tpu.memref_squeeze %dma_start3A_145 : memref<1x128xi32, #tpu.memory_space<vmem>> -> memref<128xi32, #tpu.memory_space<vmem>>
        %dma_start3A_147 = arith.constant 0 : i32
        %dma_start3A_148 = arith.constant 0 : i32
        %dma_start3A_149 = tpu.memref_slice %arg10[%dma_start3A_147, %dma_start3A_148] : memref<10112x64xf32, #tpu.memory_space<vmem_shared>> -> memref<10112x64xf32, #tpu.memory_space<vmem_shared>>
        tpu.enqueue_indirect_dma source(%dma_start3A_143 : memref<128x64xf32, #tpu.memory_space<vmem>>) target(%dma_start3A_149 : memref<10112x64xf32, #tpu.memory_space<vmem_shared>>) offsets(%dma_start3A_146 : memref<128xi32, #tpu.memory_space<vmem>>) semaphore(%arg13 : memref<!tpu.dma_semaphore, #tpu.memory_space<semaphore_mem>>) {add = true}
        %dma_wait3A_150 = arith.constant 1 : i32
        %dma_wait3A_151 = arith.constant 1 : i32
        %dma_wait3A_152 = arith.constant 0 : i32
        %dma_wait3A_153 = arith.constant 0 : i32
        %dma_wait3A_154 = tpu.memref_slice %arg9[%dma_wait3A_150, %dma_wait3A_152, %dma_wait3A_153] : memref<3x128x64xf32, #tpu.memory_space<vmem>> -> memref<1x128x64xf32, #tpu.memory_space<vmem>>
        %dma_wait3A_155 = tpu.memref_squeeze %dma_wait3A_154 : memref<1x128x64xf32, #tpu.memory_space<vmem>> -> memref<128x64xf32, #tpu.memory_space<vmem>>
        %dma_wait3A_156 = arith.constant 0 : i32
        %dma_wait3A_157 = tpu.memref_slice %arg7[%add3A_92, %dma_wait3A_156] : memref<93x128xi32, #tpu.memory_space<vmem>> -> memref<1x128xi32, #tpu.memory_space<vmem>>
        %dma_wait3A_158 = tpu.memref_squeeze %dma_wait3A_157 : memref<1x128xi32, #tpu.memory_space<vmem>> -> memref<128xi32, #tpu.memory_space<vmem>>
        %dma_wait3A_159 = arith.constant 0 : i32
        %dma_wait3A_160 = arith.constant 0 : i32
        %dma_wait3A_161 = tpu.memref_slice %arg11[%dma_wait3A_159, %dma_wait3A_160] : memref<10112x64xf32, #tpu.memory_space<vmem_shared>> -> memref<10112x64xf32, #tpu.memory_space<vmem_shared>>
        %dma_wait3A_162 = tpu.memref_slice %arg12[%dma_wait3A_151] : memref<3x!tpu.dma_semaphore, #tpu.memory_space<semaphore_mem>> -> memref<1x!tpu.dma_semaphore, #tpu.memory_space<semaphore_mem>>
        %dma_wait3A_163 = tpu.memref_squeeze %dma_wait3A_162 : memref<1x!tpu.dma_semaphore, #tpu.memory_space<semaphore_mem>> -> memref<!tpu.dma_semaphore, #tpu.memory_space<semaphore_mem>>
        tpu.wait_indirect_dma semaphore(%dma_wait3A_163 : memref<!tpu.dma_semaphore, #tpu.memory_space<semaphore_mem>>) src(%dma_wait3A_161 : memref<10112x64xf32, #tpu.memory_space<vmem_shared>>) dst(%dma_wait3A_155 : memref<128x64xf32, #tpu.memory_space<vmem>>)
        %add3A_164 = arith.constant 1 : i32
        %add3A_165 = arith.addi %mul3A_74, %add3A_164 : i32
        %dma_start3A_166 = arith.constant 1 : i32
        %dma_start3A_167 = arith.constant 0 : i32
        %dma_start3A_168 = arith.constant 0 : i32
        %dma_start3A_169 = tpu.memref_slice %arg9[%dma_start3A_166, %dma_start3A_167, %dma_start3A_168] : memref<3x128x64xf32, #tpu.memory_space<vmem>> -> memref<1x128x64xf32, #tpu.memory_space<vmem>>
        %dma_start3A_170 = tpu.memref_squeeze %dma_start3A_169 : memref<1x128x64xf32, #tpu.memory_space<vmem>> -> memref<128x64xf32, #tpu.memory_space<vmem>>
        %dma_start3A_171 = arith.constant 0 : i32
        %dma_start3A_172 = tpu.memref_slice %arg8[%add3A_165, %dma_start3A_171] : memref<93x128xi32, #tpu.memory_space<vmem>> -> memref<1x128xi32, #tpu.memory_space<vmem>>
        %dma_start3A_173 = tpu.memref_squeeze %dma_start3A_172 : memref<1x128xi32, #tpu.memory_space<vmem>> -> memref<128xi32, #tpu.memory_space<vmem>>
        %dma_start3A_174 = arith.constant 0 : i32
        %dma_start3A_175 = arith.constant 0 : i32
        %dma_start3A_176 = tpu.memref_slice %arg10[%dma_start3A_174, %dma_start3A_175] : memref<10112x64xf32, #tpu.memory_space<vmem_shared>> -> memref<10112x64xf32, #tpu.memory_space<vmem_shared>>
        tpu.enqueue_indirect_dma source(%dma_start3A_170 : memref<128x64xf32, #tpu.memory_space<vmem>>) target(%dma_start3A_176 : memref<10112x64xf32, #tpu.memory_space<vmem_shared>>) offsets(%dma_start3A_173 : memref<128xi32, #tpu.memory_space<vmem>>) semaphore(%arg13 : memref<!tpu.dma_semaphore, #tpu.memory_space<semaphore_mem>>) {add = true}
        %dma_wait3A_177 = arith.constant 2 : i32
        %dma_wait3A_178 = arith.constant 2 : i32
        %dma_wait3A_179 = arith.constant 0 : i32
        %dma_wait3A_180 = arith.constant 0 : i32
        %dma_wait3A_181 = tpu.memref_slice %arg9[%dma_wait3A_177, %dma_wait3A_179, %dma_wait3A_180] : memref<3x128x64xf32, #tpu.memory_space<vmem>> -> memref<1x128x64xf32, #tpu.memory_space<vmem>>
        %dma_wait3A_182 = tpu.memref_squeeze %dma_wait3A_181 : memref<1x128x64xf32, #tpu.memory_space<vmem>> -> memref<128x64xf32, #tpu.memory_space<vmem>>
        %dma_wait3A_183 = arith.constant 0 : i32
        %dma_wait3A_184 = tpu.memref_slice %arg7[%add3A_108, %dma_wait3A_183] : memref<93x128xi32, #tpu.memory_space<vmem>> -> memref<1x128xi32, #tpu.memory_space<vmem>>
        %dma_wait3A_185 = tpu.memref_squeeze %dma_wait3A_184 : memref<1x128xi32, #tpu.memory_space<vmem>> -> memref<128xi32, #tpu.memory_space<vmem>>
        %dma_wait3A_186 = arith.constant 0 : i32
        %dma_wait3A_187 = arith.constant 0 : i32
        %dma_wait3A_188 = tpu.memref_slice %arg11[%dma_wait3A_186, %dma_wait3A_187] : memref<10112x64xf32, #tpu.memory_space<vmem_shared>> -> memref<10112x64xf32, #tpu.memory_space<vmem_shared>>
        %dma_wait3A_189 = tpu.memref_slice %arg12[%dma_wait3A_178] : memref<3x!tpu.dma_semaphore, #tpu.memory_space<semaphore_mem>> -> memref<1x!tpu.dma_semaphore, #tpu.memory_space<semaphore_mem>>
        %dma_wait3A_190 = tpu.memref_squeeze %dma_wait3A_189 : memref<1x!tpu.dma_semaphore, #tpu.memory_space<semaphore_mem>> -> memref<!tpu.dma_semaphore, #tpu.memory_space<semaphore_mem>>
        tpu.wait_indirect_dma semaphore(%dma_wait3A_190 : memref<!tpu.dma_semaphore, #tpu.memory_space<semaphore_mem>>) src(%dma_wait3A_188 : memref<10112x64xf32, #tpu.memory_space<vmem_shared>>) dst(%dma_wait3A_182 : memref<128x64xf32, #tpu.memory_space<vmem>>)
        %add3A_191 = arith.constant 2 : i32
        %add3A_192 = arith.addi %mul3A_74, %add3A_191 : i32
        %dma_start3A_193 = arith.constant 2 : i32
        %dma_start3A_194 = arith.constant 0 : i32
        %dma_start3A_195 = arith.constant 0 : i32
        %dma_start3A_196 = tpu.memref_slice %arg9[%dma_start3A_193, %dma_start3A_194, %dma_start3A_195] : memref<3x128x64xf32, #tpu.memory_space<vmem>> -> memref<1x128x64xf32, #tpu.memory_space<vmem>>
        %dma_start3A_197 = tpu.memref_squeeze %dma_start3A_196 : memref<1x128x64xf32, #tpu.memory_space<vmem>> -> memref<128x64xf32, #tpu.memory_space<vmem>>
        %dma_start3A_198 = arith.constant 0 : i32
        %dma_start3A_199 = tpu.memref_slice %arg8[%add3A_192, %dma_start3A_198] : memref<93x128xi32, #tpu.memory_space<vmem>> -> memref<1x128xi32, #tpu.memory_space<vmem>>
        %dma_start3A_200 = tpu.memref_squeeze %dma_start3A_199 : memref<1x128xi32, #tpu.memory_space<vmem>> -> memref<128xi32, #tpu.memory_space<vmem>>
        %dma_start3A_201 = arith.constant 0 : i32
        %dma_start3A_202 = arith.constant 0 : i32
        %dma_start3A_203 = tpu.memref_slice %arg10[%dma_start3A_201, %dma_start3A_202] : memref<10112x64xf32, #tpu.memory_space<vmem_shared>> -> memref<10112x64xf32, #tpu.memory_space<vmem_shared>>
        tpu.enqueue_indirect_dma source(%dma_start3A_197 : memref<128x64xf32, #tpu.memory_space<vmem>>) target(%dma_start3A_203 : memref<10112x64xf32, #tpu.memory_space<vmem_shared>>) offsets(%dma_start3A_200 : memref<128xi32, #tpu.memory_space<vmem>>) semaphore(%arg13 : memref<!tpu.dma_semaphore, #tpu.memory_space<semaphore_mem>>) {add = true}
        %dma_wait3A_204 = arith.constant 0 : i32
        %dma_wait3A_205 = arith.constant 0 : i32
        %dma_wait3A_206 = arith.constant 0 : i32
        %dma_wait3A_207 = tpu.memref_slice %arg9[%dma_wait3A_204, %dma_wait3A_205, %dma_wait3A_206] : memref<3x128x64xf32, #tpu.memory_space<vmem>> -> memref<1x128x64xf32, #tpu.memory_space<vmem>>
        %dma_wait3A_208 = tpu.memref_squeeze %dma_wait3A_207 : memref<1x128x64xf32, #tpu.memory_space<vmem>> -> memref<128x64xf32, #tpu.memory_space<vmem>>
        %dma_wait3A_209 = arith.constant 0 : i32
        %dma_wait3A_210 = tpu.memref_slice %arg8[%add3A_138, %dma_wait3A_209] : memref<93x128xi32, #tpu.memory_space<vmem>> -> memref<1x128xi32, #tpu.memory_space<vmem>>
        %dma_wait3A_211 = tpu.memref_squeeze %dma_wait3A_210 : memref<1x128xi32, #tpu.memory_space<vmem>> -> memref<128xi32, #tpu.memory_space<vmem>>
        %dma_wait3A_212 = arith.constant 0 : i32
        %dma_wait3A_213 = arith.constant 0 : i32
        %dma_wait3A_214 = tpu.memref_slice %arg10[%dma_wait3A_212, %dma_wait3A_213] : memref<10112x64xf32, #tpu.memory_space<vmem_shared>> -> memref<10112x64xf32, #tpu.memory_space<vmem_shared>>
        tpu.wait_indirect_dma semaphore(%arg13 : memref<!tpu.dma_semaphore, #tpu.memory_space<semaphore_mem>>) src(%dma_wait3A_208 : memref<128x64xf32, #tpu.memory_space<vmem>>) dst(%dma_wait3A_214 : memref<10112x64xf32, #tpu.memory_space<vmem_shared>>)
        %dma_wait3A_215 = arith.constant 1 : i32
        %dma_wait3A_216 = arith.constant 0 : i32
        %dma_wait3A_217 = arith.constant 0 : i32
        %dma_wait3A_218 = tpu.memref_slice %arg9[%dma_wait3A_215, %dma_wait3A_216, %dma_wait3A_217] : memref<3x128x64xf32, #tpu.memory_space<vmem>> -> memref<1x128x64xf32, #tpu.memory_space<vmem>>
        %dma_wait3A_219 = tpu.memref_squeeze %dma_wait3A_218 : memref<1x128x64xf32, #tpu.memory_space<vmem>> -> memref<128x64xf32, #tpu.memory_space<vmem>>
        %dma_wait3A_220 = arith.constant 0 : i32
        %dma_wait3A_221 = tpu.memref_slice %arg8[%add3A_165, %dma_wait3A_220] : memref<93x128xi32, #tpu.memory_space<vmem>> -> memref<1x128xi32, #tpu.memory_space<vmem>>
        %dma_wait3A_222 = tpu.memref_squeeze %dma_wait3A_221 : memref<1x128xi32, #tpu.memory_space<vmem>> -> memref<128xi32, #tpu.memory_space<vmem>>
        %dma_wait3A_223 = arith.constant 0 : i32
        %dma_wait3A_224 = arith.constant 0 : i32
        %dma_wait3A_225 = tpu.memref_slice %arg10[%dma_wait3A_223, %dma_wait3A_224] : memref<10112x64xf32, #tpu.memory_space<vmem_shared>> -> memref<10112x64xf32, #tpu.memory_space<vmem_shared>>
        tpu.wait_indirect_dma semaphore(%arg13 : memref<!tpu.dma_semaphore, #tpu.memory_space<semaphore_mem>>) src(%dma_wait3A_219 : memref<128x64xf32, #tpu.memory_space<vmem>>) dst(%dma_wait3A_225 : memref<10112x64xf32, #tpu.memory_space<vmem_shared>>)
        %dma_wait3A_226 = arith.constant 2 : i32
        %dma_wait3A_227 = arith.constant 0 : i32
        %dma_wait3A_228 = arith.constant 0 : i32
        %dma_wait3A_229 = tpu.memref_slice %arg9[%dma_wait3A_226, %dma_wait3A_227, %dma_wait3A_228] : memref<3x128x64xf32, #tpu.memory_space<vmem>> -> memref<1x128x64xf32, #tpu.memory_space<vmem>>
        %dma_wait3A_230 = tpu.memref_squeeze %dma_wait3A_229 : memref<1x128x64xf32, #tpu.memory_space<vmem>> -> memref<128x64xf32, #tpu.memory_space<vmem>>
        %dma_wait3A_231 = arith.constant 0 : i32
        %dma_wait3A_232 = tpu.memref_slice %arg8[%add3A_192, %dma_wait3A_231] : memref<93x128xi32, #tpu.memory_space<vmem>> -> memref<1x128xi32, #tpu.memory_space<vmem>>
        %dma_wait3A_233 = tpu.memref_squeeze %dma_wait3A_232 : memref<1x128xi32, #tpu.memory_space<vmem>> -> memref<128xi32, #tpu.memory_space<vmem>>
        %dma_wait3A_234 = arith.constant 0 : i32
        %dma_wait3A_235 = arith.constant 0 : i32
        %dma_wait3A_236 = tpu.memref_slice %arg10[%dma_wait3A_234, %dma_wait3A_235] : memref<10112x64xf32, #tpu.memory_space<vmem_shared>> -> memref<10112x64xf32, #tpu.memory_space<vmem_shared>>
        tpu.wait_indirect_dma semaphore(%arg13 : memref<!tpu.dma_semaphore, #tpu.memory_space<semaphore_mem>>) src(%dma_wait3A_230 : memref<128x64xf32, #tpu.memory_space<vmem>>) dst(%dma_wait3A_236 : memref<10112x64xf32, #tpu.memory_space<vmem_shared>>)
      }
      %scan3A_71 = arith.constant 23 : i32
    } else {
    }
    %barrier3A_62 = arith.constant 0 : index
    tpu.barrier barrier_id(%barrier3A_62)
    "tpu.trace_stop"() : () -> ()
    "tpu.trace_start"() <{level = 10 : i32, message = "segsum_drain"}> : () -> ()
    %mul3A_63 = arith.constant 632 : i32
    %mul3A_64 = arith.muli %arg1, %mul3A_63 : i32
    %mul3A_65 = arith.constant 632 : i32
    %mul3A_66 = arith.muli %arg1, %mul3A_65 : i32
    "tpu.region"() ({
      %run_scoped3A = tpu.sem_alloc : memref<!tpu.dma_semaphore, #tpu.memory_space<semaphore_mem>>
      %dma_start3A_67 = arith.constant 0 : i32
      %dma_start3A_68 = tpu.memref_slice %arg6[%arg0, %mul3A_66, %dma_start3A_67] : memref<2x10112x64xf32, #tpu.memory_space<hbm>> -> memref<1x632x64xf32, #tpu.memory_space<hbm>>
      %dma_start3A_69 = tpu.memref_squeeze %dma_start3A_68 : memref<1x632x64xf32, #tpu.memory_space<hbm>> -> memref<632x64xf32, #tpu.memory_space<hbm>>
      %dma_start3A_70 = arith.constant 0 : i32
      %dma_start3A_71 = tpu.memref_slice %arg10[%mul3A_64, %dma_start3A_70] : memref<10112x64xf32, #tpu.memory_space<vmem_shared>> -> memref<632x64xf32, #tpu.memory_space<vmem_shared>>
      tpu.enqueue_dma source(%dma_start3A_71 : memref<632x64xf32, #tpu.memory_space<vmem_shared>>) target(%dma_start3A_69 : memref<632x64xf32, #tpu.memory_space<hbm>>) target_semaphore(%run_scoped3A : memref<!tpu.dma_semaphore, #tpu.memory_space<semaphore_mem>>)
      %dma_wait3A_72 = arith.constant 0 : i32
      %dma_wait3A_73 = tpu.memref_slice %arg6[%arg0, %mul3A_66, %dma_wait3A_72] : memref<2x10112x64xf32, #tpu.memory_space<hbm>> -> memref<1x632x64xf32, #tpu.memory_space<hbm>>
      %dma_wait3A_74 = tpu.memref_squeeze %dma_wait3A_73 : memref<1x632x64xf32, #tpu.memory_space<hbm>> -> memref<632x64xf32, #tpu.memory_space<hbm>>
      %dma_wait3A_75 = arith.constant 0 : i32
      %dma_wait3A_76 = tpu.memref_slice %arg10[%mul3A_64, %dma_wait3A_75] : memref<10112x64xf32, #tpu.memory_space<vmem_shared>> -> memref<632x64xf32, #tpu.memory_space<vmem_shared>>
      tpu.wait_dma2 semaphore(%run_scoped3A : memref<!tpu.dma_semaphore, #tpu.memory_space<semaphore_mem>>) src(%dma_wait3A_76 : memref<632x64xf32, #tpu.memory_space<vmem_shared>>) dst(%dma_wait3A_74 : memref<632x64xf32, #tpu.memory_space<hbm>>)
      tpu.yield
    }) : () -> ()
    "tpu.trace_stop"() : () -> ()
    return
  }
}

module attributes {stable_mosaic.version = 14 : i64} {
  func.func @_mm_body(%arg0: i32, %arg1: memref<632x128xf32, #tpu.memory_space<vmem>>, %arg2: memref<128x64xf32, #tpu.memory_space<vmem>>, %arg3: memref<632x64xf32, #tpu.memory_space<vmem>>) attributes {dimension_semantics = [#tpu.dimension_semantics<arbitrary>], iteration_bounds = array<i64: 16>, scalar_prefetch = 0 : i64, scratch_operands = 0 : i64, tpu.core_type = #tpu.core_type<tc>, window_params = [{transform_indices = @transform_0, window_bounds = array<i64: 632, 128>}, {pipeline_mode = #tpu.pipeline_mode<synchronous>, transform_indices = @transform_1, window_bounds = array<i64: 128, 64>}, {transform_indices = @transform_2, window_bounds = array<i64: 632, 64>}]} {
    %get3A = arith.constant 0 : index
    %get3A_0 = arith.constant 0 : index
    %get3A_1 = vector.load %arg1[%get3A, %get3A_0] : memref<632x128xf32, #tpu.memory_space<vmem>>, vector<632x128xf32>
    %get3A_2 = arith.constant 0 : index
    %get3A_3 = arith.constant 0 : index
    %get3A_4 = vector.load %arg2[%get3A_2, %get3A_3] : memref<128x64xf32, #tpu.memory_space<vmem>>, vector<128x64xf32>
    %dot_general3A = arith.constant dense<0.000000e+00> : vector<632x64xf32>
    %dot_general3A_5 = tpu.matmul %get3A_1, %get3A_4, %dot_general3A {dimension_numbers = #tpu.dot_dimension_numbers<[1], [0], [0], [1], [0, 0, 1, 1], [], []>, transpose_lhs_hint = false} : vector<632x128xf32>, vector<128x64xf32>, vector<632x64xf32> -> vector<632x64xf32>
    %swap3A = arith.constant 0 : index
    %swap3A_6 = arith.constant 0 : index
    %swap3A_7 = vector.load %arg3[%swap3A, %swap3A_6] : memref<632x64xf32, #tpu.memory_space<vmem>>, vector<632x64xf32>
    tpu.vector_store %arg3[%swap3A, %swap3A_6], %dot_general3A_5 {strides = array<i32>} : memref<632x64xf32, #tpu.memory_space<vmem>>, vector<632x64xf32>,
    return
  }
  func.func @transform_0(%arg0: i32) -> (i32, i32) {
    %c0_i32 = arith.constant 0 : i32
    %c0_i32_0 = arith.constant 0 : i32
    return %arg0, %c0_i32 : i32, i32
  }
  func.func @transform_1(%arg0: i32) -> (i32, i32) {
    %c0_i32 = arith.constant 0 : i32
    %c0_i32_0 = arith.constant 0 : i32
    %c0_i32_1 = arith.constant 0 : i32
    return %c0_i32, %c0_i32_0 : i32, i32
  }
  func.func @transform_2(%arg0: i32) -> (i32, i32) {
    %c0_i32 = arith.constant 0 : i32
    %c0_i32_0 = arith.constant 0 : i32
    return %arg0, %c0_i32 : i32, i32
  }
}

module attributes {stable_mosaic.version = 14 : i64} {
  func.func @_mid_body(%arg0: i32, %arg1: memref<2x632x64xf32, #tpu.memory_space<vmem>>, %arg2: memref<64x64xf32, #tpu.memory_space<vmem>>, %arg3: memref<632x64xf32, #tpu.memory_space<vmem>>) attributes {dimension_semantics = [#tpu.dimension_semantics<arbitrary>], iteration_bounds = array<i64: 16>, scalar_prefetch = 0 : i64, scratch_operands = 0 : i64, tpu.core_type = #tpu.core_type<tc>, window_params = [{transform_indices = @transform_0, window_bounds = array<i64: 2, 632, 64>}, {pipeline_mode = #tpu.pipeline_mode<synchronous>, transform_indices = @transform_1, window_bounds = array<i64: 64, 64>}, {transform_indices = @transform_2, window_bounds = array<i64: 632, 64>}]} {
    %get3A = arith.constant 0 : index
    %get3A_0 = arith.constant 0 : index
    %get3A_1 = arith.constant 0 : index
    %get3A_2 = vector.load %arg1[%get3A, %get3A_0, %get3A_1] : memref<2x632x64xf32, #tpu.memory_space<vmem>>, vector<1x632x64xf32>
    %get3A_3 = vector.shape_cast %get3A_2 : vector<1x632x64xf32> to vector<632x64xf32>
    %get3A_4 = arith.constant 1 : index
    %get3A_5 = arith.constant 0 : index
    %get3A_6 = arith.constant 0 : index
    %get3A_7 = vector.load %arg1[%get3A_4, %get3A_5, %get3A_6] : memref<2x632x64xf32, #tpu.memory_space<vmem>>, vector<1x632x64xf32>
    %get3A_8 = vector.shape_cast %get3A_7 : vector<1x632x64xf32> to vector<632x64xf32>
    %add3A = arith.addf %get3A_3, %get3A_8 : vector<632x64xf32>
    %mul3A = arith.mulf %add3A, %add3A : vector<632x64xf32>
    %reduce_sum3A = arith.constant dense<0.000000e+00> : vector<632xf32>
    %reduce_sum3A_9 = vector.multi_reduction <add>, %mul3A, %reduce_sum3A [1] : vector<632x64xf32> to vector<632xf32>
    %broadcast_in_dim3A = vector.shape_cast %reduce_sum3A_9 : vector<632xf32> to vector<632x1xf32>
    %sqrt3A = math.sqrt %broadcast_in_dim3A : vector<632x1xf32>
    %max3A = arith.constant 9.99999996E-13 : f32
    %max3A_10 = vector.broadcast %max3A : f32 to vector<632x1xf32>
    %max3A_11 = arith.maximumf %sqrt3A, %max3A_10 : vector<632x1xf32>
    %div3A = vector.broadcast %max3A_11 : vector<632x1xf32> to vector<632x64xf32>
    %div3A_12 = arith.divf %add3A, %div3A : vector<632x64xf32>
    %max3A_13 = arith.constant 0.000000e+00 : f32
    %max3A_14 = vector.broadcast %max3A_13 : f32 to vector<632x64xf32>
    %max3A_15 = arith.maximumf %div3A_12, %max3A_14 : vector<632x64xf32>
    %get3A_16 = arith.constant 0 : index
    %get3A_17 = arith.constant 0 : index
    %get3A_18 = vector.load %arg2[%get3A_16, %get3A_17] : memref<64x64xf32, #tpu.memory_space<vmem>>, vector<64x64xf32>
    %dot_general3A = arith.constant dense<0.000000e+00> : vector<632x64xf32>
    %dot_general3A_19 = tpu.matmul %max3A_15, %get3A_18, %dot_general3A {dimension_numbers = #tpu.dot_dimension_numbers<[1], [0], [0], [1], [0, 0, 1, 1], [], []>, transpose_lhs_hint = false} : vector<632x64xf32>, vector<64x64xf32>, vector<632x64xf32> -> vector<632x64xf32>
    %swap3A = arith.constant 0 : index
    %swap3A_20 = arith.constant 0 : index
    %swap3A_21 = vector.load %arg3[%swap3A, %swap3A_20] : memref<632x64xf32, #tpu.memory_space<vmem>>, vector<632x64xf32>
    tpu.vector_store %arg3[%swap3A, %swap3A_20], %dot_general3A_19 {strides = array<i32>} : memref<632x64xf32, #tpu.memory_space<vmem>>, vector<632x64xf32>,
    return
  }
  func.func @transform_0(%arg0: i32) -> (i32, i32, i32) {
    %c0_i32 = arith.constant 0 : i32
    %c0_i32_0 = arith.constant 0 : i32
    %c0_i32_1 = arith.constant 0 : i32
    return %c0_i32, %arg0, %c0_i32_0 : i32, i32, i32
  }
  func.func @transform_1(%arg0: i32) -> (i32, i32) {
    %c0_i32 = arith.constant 0 : i32
    %c0_i32_0 = arith.constant 0 : i32
    %c0_i32_1 = arith.constant 0 : i32
    return %c0_i32, %c0_i32_0 : i32, i32
  }
  func.func @transform_2(%arg0: i32) -> (i32, i32) {
    %c0_i32 = arith.constant 0 : i32
    %c0_i32_0 = arith.constant 0 : i32
    return %arg0, %c0_i32 : i32, i32
  }
}

module attributes {stable_mosaic.version = 14 : i64} {
  func.func @_head_body(%arg0: i32, %arg1: memref<2x1000x64xf32, #tpu.memory_space<vmem>>, %arg2: memref<1000x32xf32, #tpu.memory_space<vmem>>, %arg3: memref<64x16xf32, #tpu.memory_space<vmem>>, %arg4: memref<1x16xf32, #tpu.memory_space<vmem>>, %arg5: memref<16x32xf32, #tpu.memory_space<vmem>>, %arg6: memref<1x32xf32, #tpu.memory_space<vmem>>, %arg7: memref<64x16xf32, #tpu.memory_space<vmem>>, %arg8: memref<1x16xf32, #tpu.memory_space<vmem>>, %arg9: memref<16x32xf32, #tpu.memory_space<vmem>>, %arg10: memref<1x32xf32, #tpu.memory_space<vmem>>, %arg11: memref<1000x32xf32, #tpu.memory_space<vmem>>) attributes {dimension_semantics = [#tpu.dimension_semantics<arbitrary>], iteration_bounds = array<i64: 10>, scalar_prefetch = 0 : i64, scratch_operands = 0 : i64, tpu.core_type = #tpu.core_type<tc>, window_params = [{transform_indices = @transform_0, window_bounds = array<i64: 2, 1000, 64>}, {transform_indices = @transform_1, window_bounds = array<i64: 1000, 32>}, {pipeline_mode = #tpu.pipeline_mode<synchronous>, transform_indices = @transform_2, window_bounds = array<i64: 64, 16>}, {pipeline_mode = #tpu.pipeline_mode<synchronous>, transform_indices = @transform_3, window_bounds = array<i64: 1, 16>}, {pipeline_mode = #tpu.pipeline_mode<synchronous>, transform_indices = @transform_4, window_bounds = array<i64: 16, 32>}, {pipeline_mode = #tpu.pipeline_mode<synchronous>, transform_indices = @transform_5, window_bounds = array<i64: 1, 32>}, {pipeline_mode = #tpu.pipeline_mode<synchronous>, transform_indices = @transform_6, window_bounds = array<i64: 64, 16>}, {pipeline_mode = #tpu.pipeline_mode<synchronous>, transform_indices = @transform_7, window_bounds = array<i64: 1, 16>}, {pipeline_mode = #tpu.pipeline_mode<synchronous>, transform_indices = @transform_8, window_bounds = array<i64: 16, 32>}, {pipeline_mode = #tpu.pipeline_mode<synchronous>, transform_indices = @transform_9, window_bounds = array<i64: 1, 32>}, {transform_indices = @transform_10, window_bounds = array<i64: 1000, 32>}]} {
    %get3A = arith.constant 0 : index
    %get3A_0 = arith.constant 0 : index
    %get3A_1 = arith.constant 0 : index
    %get3A_2 = vector.load %arg1[%get3A, %get3A_0, %get3A_1] : memref<2x1000x64xf32, #tpu.memory_space<vmem>>, vector<1x1000x64xf32>
    %get3A_3 = vector.shape_cast %get3A_2 : vector<1x1000x64xf32> to vector<1000x64xf32>
    %get3A_4 = arith.constant 1 : index
    %get3A_5 = arith.constant 0 : index
    %get3A_6 = arith.constant 0 : index
    %get3A_7 = vector.load %arg1[%get3A_4, %get3A_5, %get3A_6] : memref<2x1000x64xf32, #tpu.memory_space<vmem>>, vector<1x1000x64xf32>
    %get3A_8 = vector.shape_cast %get3A_7 : vector<1x1000x64xf32> to vector<1000x64xf32>
    %add3A = arith.addf %get3A_3, %get3A_8 : vector<1000x64xf32>
    %mul3A = arith.mulf %add3A, %add3A : vector<1000x64xf32>
    %reduce_sum3A = arith.constant dense<0.000000e+00> : vector<1000xf32>
    %reduce_sum3A_9 = vector.multi_reduction <add>, %mul3A, %reduce_sum3A [1] : vector<1000x64xf32> to vector<1000xf32>
    %broadcast_in_dim3A = vector.shape_cast %reduce_sum3A_9 : vector<1000xf32> to vector<1000x1xf32>
    %sqrt3A = math.sqrt %broadcast_in_dim3A : vector<1000x1xf32>
    %max3A = arith.constant 9.99999996E-13 : f32
    %max3A_10 = vector.broadcast %max3A : f32 to vector<1000x1xf32>
    %max3A_11 = arith.maximumf %sqrt3A, %max3A_10 : vector<1000x1xf32>
    %div3A = vector.broadcast %max3A_11 : vector<1000x1xf32> to vector<1000x64xf32>
    %div3A_12 = arith.divf %add3A, %div3A : vector<1000x64xf32>
    %max3A_13 = arith.constant 0.000000e+00 : f32
    %max3A_14 = vector.broadcast %max3A_13 : f32 to vector<1000x64xf32>
    %max3A_15 = arith.maximumf %div3A_12, %max3A_14 : vector<1000x64xf32>
    %get3A_16 = arith.constant 0 : index
    %get3A_17 = arith.constant 0 : index
    %get3A_18 = vector.load %arg3[%get3A_16, %get3A_17] : memref<64x16xf32, #tpu.memory_space<vmem>>, vector<64x16xf32>
    %dot_general3A = arith.constant dense<0.000000e+00> : vector<1000x16xf32>
    %dot_general3A_19 = tpu.matmul %max3A_15, %get3A_18, %dot_general3A {dimension_numbers = #tpu.dot_dimension_numbers<[1], [0], [0], [1], [0, 0, 1, 1], [], []>, transpose_lhs_hint = false} : vector<1000x64xf32>, vector<64x16xf32>, vector<1000x16xf32> -> vector<1000x16xf32>
    %get3A_20 = arith.constant 0 : index
    %get3A_21 = arith.constant 0 : index
    %get3A_22 = vector.load %arg4[%get3A_20, %get3A_21] : memref<1x16xf32, #tpu.memory_space<vmem>>, vector<1x16xf32>
    %add3A_23 = vector.broadcast %get3A_22 : vector<1x16xf32> to vector<1000x16xf32>
    %add3A_24 = arith.addf %dot_general3A_19, %add3A_23 : vector<1000x16xf32>
    %tanh3A = math.tanh %add3A_24 : vector<1000x16xf32>
    %get3A_25 = arith.constant 0 : index
    %get3A_26 = arith.constant 0 : index
    %get3A_27 = vector.load %arg5[%get3A_25, %get3A_26] : memref<16x32xf32, #tpu.memory_space<vmem>>, vector<16x32xf32>
    %dot_general3A_28 = arith.constant dense<0.000000e+00> : vector<1000x32xf32>
    %dot_general3A_29 = tpu.matmul %tanh3A, %get3A_27, %dot_general3A_28 {dimension_numbers = #tpu.dot_dimension_numbers<[1], [0], [0], [1], [0, 0, 1, 1], [], []>, transpose_lhs_hint = false} : vector<1000x16xf32>, vector<16x32xf32>, vector<1000x32xf32> -> vector<1000x32xf32>
    %get3A_30 = arith.constant 0 : index
    %get3A_31 = arith.constant 0 : index
    %get3A_32 = vector.load %arg6[%get3A_30, %get3A_31] : memref<1x32xf32, #tpu.memory_space<vmem>>, vector<1x32xf32>
    %add3A_33 = vector.broadcast %get3A_32 : vector<1x32xf32> to vector<1000x32xf32>
    %add3A_34 = arith.addf %dot_general3A_29, %add3A_33 : vector<1000x32xf32>
    %get3A_35 = arith.constant 0 : index
    %get3A_36 = arith.constant 0 : index
    %get3A_37 = vector.load %arg7[%get3A_35, %get3A_36] : memref<64x16xf32, #tpu.memory_space<vmem>>, vector<64x16xf32>
    %dot_general3A_38 = arith.constant dense<0.000000e+00> : vector<1000x16xf32>
    %dot_general3A_39 = tpu.matmul %max3A_15, %get3A_37, %dot_general3A_38 {dimension_numbers = #tpu.dot_dimension_numbers<[1], [0], [0], [1], [0, 0, 1, 1], [], []>, transpose_lhs_hint = false} : vector<1000x64xf32>, vector<64x16xf32>, vector<1000x16xf32> -> vector<1000x16xf32>
    %get3A_40 = arith.constant 0 : index
    %get3A_41 = arith.constant 0 : index
    %get3A_42 = vector.load %arg8[%get3A_40, %get3A_41] : memref<1x16xf32, #tpu.memory_space<vmem>>, vector<1x16xf32>
    %add3A_43 = vector.broadcast %get3A_42 : vector<1x16xf32> to vector<1000x16xf32>
    %add3A_44 = arith.addf %dot_general3A_39, %add3A_43 : vector<1000x16xf32>
    %tanh3A_45 = math.tanh %add3A_44 : vector<1000x16xf32>
    %get3A_46 = arith.constant 0 : index
    %get3A_47 = arith.constant 0 : index
    %get3A_48 = vector.load %arg9[%get3A_46, %get3A_47] : memref<16x32xf32, #tpu.memory_space<vmem>>, vector<16x32xf32>
    %dot_general3A_49 = arith.constant dense<0.000000e+00> : vector<1000x32xf32>
    %dot_general3A_50 = tpu.matmul %tanh3A_45, %get3A_48, %dot_general3A_49 {dimension_numbers = #tpu.dot_dimension_numbers<[1], [0], [0], [1], [0, 0, 1, 1], [], []>, transpose_lhs_hint = false} : vector<1000x16xf32>, vector<16x32xf32>, vector<1000x32xf32> -> vector<1000x32xf32>
    %get3A_51 = arith.constant 0 : index
    %get3A_52 = arith.constant 0 : index
    %get3A_53 = vector.load %arg10[%get3A_51, %get3A_52] : memref<1x32xf32, #tpu.memory_space<vmem>>, vector<1x32xf32>
    %add3A_54 = vector.broadcast %get3A_53 : vector<1x32xf32> to vector<1000x32xf32>
    %add3A_55 = arith.addf %dot_general3A_50, %add3A_54 : vector<1000x32xf32>
    %min3A = arith.constant 1.000000e+01 : f32
    %min3A_56 = vector.broadcast %min3A : f32 to vector<1000x32xf32>
    %min3A_57 = arith.minimumf %add3A_55, %min3A_56 : vector<1000x32xf32>
    %get3A_58 = arith.constant 0 : index
    %get3A_59 = arith.constant 0 : index
    %get3A_60 = vector.load %arg2[%get3A_58, %get3A_59] : memref<1000x32xf32, #tpu.memory_space<vmem>>, vector<1000x32xf32>
    %exp3A = math.exp %min3A_57 : vector<1000x32xf32>
    %mul3A_61 = arith.mulf %get3A_60, %exp3A : vector<1000x32xf32>
    %add3A_62 = arith.addf %add3A_34, %mul3A_61 : vector<1000x32xf32>
    %swap3A = arith.constant 0 : index
    %swap3A_63 = arith.constant 0 : index
    %swap3A_64 = vector.load %arg11[%swap3A, %swap3A_63] : memref<1000x32xf32, #tpu.memory_space<vmem>>, vector<1000x32xf32>
    tpu.vector_store %arg11[%swap3A, %swap3A_63], %add3A_62 {strides = array<i32>} : memref<1000x32xf32, #tpu.memory_space<vmem>>, vector<1000x32xf32>,
    return
  }
  func.func @transform_0(%arg0: i32) -> (i32, i32, i32) {
    %c0_i32 = arith.constant 0 : i32
    %c0_i32_0 = arith.constant 0 : i32
    %c0_i32_1 = arith.constant 0 : i32
    return %c0_i32, %arg0, %c0_i32_0 : i32, i32, i32
  }
  func.func @transform_1(%arg0: i32) -> (i32, i32) {
    %c0_i32 = arith.constant 0 : i32
    %c0_i32_0 = arith.constant 0 : i32
    return %arg0, %c0_i32 : i32, i32
  }
  func.func @transform_2(%arg0: i32) -> (i32, i32) {
    %c0_i32 = arith.constant 0 : i32
    %c0_i32_0 = arith.constant 0 : i32
    %c0_i32_1 = arith.constant 0 : i32
    return %c0_i32, %c0_i32_0 : i32, i32
  }
  func.func @transform_3(%arg0: i32) -> (i32, i32) {
    %c0_i32 = arith.constant 0 : i32
    %c0_i32_0 = arith.constant 0 : i32
    %c0_i32_1 = arith.constant 0 : i32
    return %c0_i32, %c0_i32_0 : i32, i32
  }
  func.func @transform_4(%arg0: i32) -> (i32, i32) {
    %c0_i32 = arith.constant 0 : i32
    %c0_i32_0 = arith.constant 0 : i32
    %c0_i32_1 = arith.constant 0 : i32
    return %c0_i32, %c0_i32_0 : i32, i32
  }
  func.func @transform_5(%arg0: i32) -> (i32, i32) {
    %c0_i32 = arith.constant 0 : i32
    %c0_i32_0 = arith.constant 0 : i32
    %c0_i32_1 = arith.constant 0 : i32
    return %c0_i32, %c0_i32_0 : i32, i32
  }
  func.func @transform_6(%arg0: i32) -> (i32, i32) {
    %c0_i32 = arith.constant 0 : i32
    %c0_i32_0 = arith.constant 0 : i32
    %c0_i32_1 = arith.constant 0 : i32
    return %c0_i32, %c0_i32_0 : i32, i32
  }
  func.func @transform_7(%arg0: i32) -> (i32, i32) {
    %c0_i32 = arith.constant 0 : i32
    %c0_i32_0 = arith.constant 0 : i32
    %c0_i32_1 = arith.constant 0 : i32
    return %c0_i32, %c0_i32_0 : i32, i32
  }
  func.func @transform_8(%arg0: i32) -> (i32, i32) {
    %c0_i32 = arith.constant 0 : i32
    %c0_i32_0 = arith.constant 0 : i32
    %c0_i32_1 = arith.constant 0 : i32
    return %c0_i32, %c0_i32_0 : i32, i32
  }
  func.func @transform_9(%arg0: i32) -> (i32, i32) {
    %c0_i32 = arith.constant 0 : i32
    %c0_i32_0 = arith.constant 0 : i32
    %c0_i32_1 = arith.constant 0 : i32
    return %c0_i32, %c0_i32_0 : i32, i32
  }
  func.func @transform_10(%arg0: i32) -> (i32, i32) {
    %c0_i32 = arith.constant 0 : i32
    %c0_i32_0 = arith.constant 0 : i32
    return %arg0, %c0_i32 : i32, i32
  }
}

</mosaic_0001>

<sc_bundles>
// kernel: kernel.10.cloned.1.call-start
scs
__scs_entry_jumppad:
0x0: {  	(pc) =	sbr.rel $0x88, $3  }
0x1: {  	(tag) =	ssettag $0x0;
	lr =	simm.s32 $0x1  }
0x2: {  	[smem:$0x3F94] =	sst lr;
	_ =	strace $0xD0000000  }
0x3: {  	_ = 	snop  }
0x4: {  	_ = 	snop  }
0x5: {  	_ = 	snop  }
0x6: {  	_ = 	snop  }
0x7: {  	_ = 	snop  }
__scs_overlays_trampoline_lowered:
0x8: {  	[smem:$0x3FA3] =	sst s0  }
0x9: {  	[smem:$0x3FA4] =	sst s1  }
0xa: {  	[smem:$0x3FA5] =	sst s2  }
0xb: {  	[smem:$0x3FA6] =	sst s3  }
0xc: {  	[smem:$0x3FA7] =	sst s4  }
0xd: {  	[smem:$0x3FA8] =	sst s5  }
0xe: {  	[smem:$0x3FA9] =	sst s6  }
0xf: {  	[smem:$0x3FAA] =	sst s7  }
0x10: {  	[smem:$0x3FAB] =	sst s8  }
0x11: {  	[smem:$0x3FAC] =	sst s9;
	s0 =	simm.s32 @!p0 $0x0  }
0x12: {  	s1 =	sld [smem:$0x3F92];
	s0 =	simm.s32 @p0 $0x1  }
0x13: {  	[smem:$0x3FAD] =	sst s0;
	s0 =	simm.s32 @!p1 $0x0  }
0x14: {  	s2 =	sld [smem:$0x3F91];
	s0 =	simm.s32 @p1 $0x1  }
0x15: {  	[smem:$0x3FAE] =	sst s0;
	s0 =	simm.s32 @!p2 $0x0  }
0x16: {  	s3 =	sld [smem:$0x3FDB];
	s0 =	simm.s32 @p2 $0x1  }
0x17: {  	s4 =	simm.s32 $0x1BF5;
	[smem:$0x3FB0] =	sst s0  }
0x18: {  	s0 =	sld [smem:$0x3F93];
	_ =	swait.ge [sflag:s4], $0x0  }
0x19: {  	s7 =	sld [smem:$0x3F94]  }
0x1a: {  	s8 =	sadd.s32 $0xFFFFE003, lr  }
0x1b: {  	s9 =	sadd.s32 $0xFFFFFEF7, lr;
	s5 =	simm.s32 $0xFFFFFFFF;
	p2 =	slt.u32 s8, $0xFFFFF086  }
0x1c: {  	p1 =	slt.u32 s9, $0xF7A;
	s5 =	simm.s32 @!p2 $0x0  }
0x1d: {  	s5 =	simm.s32 @p1 $0x1;
	p0 =	seq.s32 s7, s2  }
0x1e: {  	s7 =	smul.u32 @!p0 $0xF7A, s2;
	p2 =	seq.s32 @!p0 s5, $0x0  }
0x1f: {  	s9 =	smul.u32 $0xF7A, s1;
	s8 =	simm.s32 @!p0 $0x1BF5;
	p2 =	por !p2, p0  }
0x20: {  	[sflag:s8] =	ssyncset.s32 @!p0 $0xFFFFF086;
	s6 =	sadd.s32 @!p0 s3, s7;
	s7 =	simm.s32 @!p0 $0x108  }
0x21: {  	s3 =	sadd.s32 s3, s9;
	s6 =	sadd.s32 @!p0 $0x88, s6;
	s7 =	simm.s32 @p2 $0x1082  }
0x22: {  	[simem:s7], [sflag:s8] =	dma.local @!p0 [hbm:s6], $0xF7A  }
0x23: {  	s9 =	sor.u32 $0xD0000000, s2;
	s6 =	simm.s32 $0x108;
	_ =	swait.ge @!p0 [sflag:s8], $0x0  }
0x24: {  	s3 =	sadd.s32 $0x88, s3;
	s6 =	simm.s32 @!p1 $0x1082;
	[sflag:s4] =	ssyncset.s32 $0xFFFFF086  }
0x25: {  	[simem:s6], [sflag:s4] =	dma.local [hbm:s3], $0xF7A  }
0x26: {  	[smem:$0x3F94] =	sst s1;
	(tag) =	ssettag s2;
	_ =	strace s9  }
0x27: {  	s1 =	sld [smem:$0x3FA4]  }
0x28: {  	s2 =	sld [smem:$0x3FA5]  }
0x29: {  	s4 =	sld [smem:$0x3FA7]  }
0x2a: {  	p0 =	seq.s32 s5, $0x0;
	s5 =	sld [smem:$0x3FA8]  }
0x2b: {  	s6 =	sld [smem:$0x3FA9]  }
0x2c: {  	s7 =	sld [smem:$0x3FAA]  }
0x2d: {  	s3 =	simm.s32 $0x108;
	s8 =	sld [smem:$0x3FAB]  }
0x2e: {  	s3 =	simm.s32 @!p0 $0x1082;
	s9 =	sld [smem:$0x3FAC]  }
0x2f: {  	lr =	sadd.s32 s0, s3;
	s0 =	sld [smem:$0x3FA3]  }
0x30: {  	s3 =	sld [smem:$0x3FA6]  }
0x31: {  	[smem:$0x3FAF] =	sst s10  }
0x32: {  	s10 =	sld [smem:$0x3FAD];
	_ =	sdelay $0x3  }
0x33: {  	p0 =	seq.s32 s10, $0x1;
	s10 =	sld [smem:$0x3FAF];
	_ =	sdelay $0x3  }
0x34: {  	[smem:$0x3FAF] =	sst s10  }
0x35: {  	s10 =	sld [smem:$0x3FAE];
	_ =	sdelay $0x3  }
0x36: {  	p1 =	seq.s32 s10, $0x1;
	s10 =	sld [smem:$0x3FAF];
	_ =	sdelay $0x3  }
0x37: {  	[smem:$0x3FAF] =	sst s10  }
0x38: {  	s10 =	sld [smem:$0x3FB0]  }
0x39: {  	_ = 	snop;
	(pc) =	sbr.ind lr, $3  }
0x3a: {  	_ = 	snop  }
0x3b: {  	_ = 	snop  }
0x3c: {  	p2 =	seq.s32 s10, $0x1;
	s10 =	sld [smem:$0x3FAF]  }
0x3d: {  	_ =	shalt  }
0x3e: {  	_ =	shalt  }
0x3f: {  	_ =	shalt  }
0x40: {  	_ =	shalt  }
0x41: {  	_ =	shalt  }
0x42: {  	_ =	shalt  }
0x43: {  	_ =	shalt  }
0x44: {  	_ =	shalt  }
0x45: {  	_ =	shalt  }
0x46: {  	_ =	shalt  }
0x47: {  	_ =	shalt  }
0x48: {  	_ =	shalt  }
0x49: {  	_ =	shalt  }
0x4a: {  	_ =	shalt  }
0x4b: {  	_ =	shalt  }
0x4c: {  	_ =	shalt  }
0x4d: {  	_ =	shalt  }
0x4e: {  	_ =	shalt  }
0x4f: {  	_ =	shalt  }
0x50: {  	_ =	shalt  }
0x51: {  	_ =	shalt  }
0x52: {  	_ =	shalt  }
0x53: {  	_ =	shalt  }
0x54: {  	_ =	shalt  }
0x55: {  	_ =	shalt  }
0x56: {  	_ =	shalt  }
0x57: {  	_ =	shalt  }
0x58: {  	_ =	shalt  }
0x59: {  	_ =	shalt  }
0x5a: {  	_ =	shalt  }
0x5b: {  	_ =	shalt  }
0x5c: {  	_ =	shalt  }
0x5d: {  	_ =	shalt  }
0x5e: {  	_ =	shalt  }
0x5f: {  	_ =	shalt  }
0x60: {  	_ =	shalt  }
0x61: {  	_ =	shalt  }
0x62: {  	_ =	shalt  }
0x63: {  	_ =	shalt  }
0x64: {  	_ =	shalt  }
0x65: {  	_ =	shalt  }
0x66: {  	_ =	shalt  }
0x67: {  	_ =	shalt  }
0x68: {  	_ =	shalt  }
0x69: {  	_ =	shalt  }
0x6a: {  	_ =	shalt  }
0x6b: {  	_ =	shalt  }
0x6c: {  	_ =	shalt  }
0x6d: {  	_ =	shalt  }
0x6e: {  	_ =	shalt  }
0x6f: {  	_ =	shalt  }
0x70: {  	_ =	shalt  }
0x71: {  	_ =	shalt  }
0x72: {  	_ =	shalt  }
0x73: {  	_ =	shalt  }
0x74: {  	_ =	shalt  }
0x75: {  	_ =	shalt  }
0x76: {  	_ =	shalt  }
0x77: {  	_ =	shalt  }
0x78: {  	_ =	shalt  }
0x79: {  	_ =	shalt  }
0x7a: {  	_ =	shalt  }
0x7b: {  	_ =	shalt  }
0x7c: {  	_ =	shalt  }
0x7d: {  	_ =	shalt  }
0x7e: {  	_ =	shalt  }
0x7f: {  	_ =	shalt  }
0x80: {  	_ =	shalt  }
0x81: {  	_ =	shalt  }
0x82: {  	_ =	shalt  }
0x83: {  	_ =	shalt  }
0x84: {  	_ =	shalt  }
0x85: {  	_ =	shalt  }
0x86: {  	_ =	shalt  }
0x87: {  	_ =	shalt  }
.Lfunc_end0:
.L_simem_size_0:
called_computation.1_lowered:
.L_overlay_start_0:
0x88: {  	s2 =	sld [smem:$0x3FD9]  }
0x89: {  	s3 =	sld [smem:$0x3FFE];
	_ =	sdelay $0x1  }
0x8a: {  	s1 =	srdreg.scid  }
0x8b: {  	s0 =	sand.u32 $0x1, s1  }
0x8c: {  	s16 =	sshll.u32 s0, $0xA;
	s2 =	sadd.s32 s3, s2  }
0x8d: {  	s2 =	sadd.s32 s2, s16  }
0x8e: {  	[smem:$0x3FBB] =	sst s2  }
0x8f: {  	_ = 	snop  }
0x90: {  	(tm) =	ssettm $0x1  }
0x91: {  	s17 =	sld [smem:$0x3FFB];
	_ =	sdelay $0x3  }
0x92: {  	_ =	strace s17  }
0x93: {  	s2 =	sld [smem:$0x3FFC];
	_ =	sdelay $0x3  }
0x94: {  	_ =	strace s2  }
0x95: {  	s2 =	sld [smem:$0x3FFD];
	_ =	sdelay $0x3  }
0x96: {  	_ =	strace s2  }
0x97: {  	_ =	strace $0x8FFFFFFF  }
0x98: {  	s18 =	sld [smem:$0x3FDB];
	_ =	sdelay $0x1  }
0x99: {  	s19 =	simm.s32 $_scs_section_size  }
0x9a: {  	s4 =	simm.s32 $_size__tile_overlayer_lowered;
	s5 =	simm.s32 $_tile_overlayer_lowered  }
0x9b: {  	s22 =	simm.s32 $0x1BFF;
	s21 =	sshll.u32 s5, $0x1;
	s2 =	sadd.s32 s19, s18  }
0x9c: {  	s6 =	simm.s32 $0x0;
	s20 =	sshll.u32 s4, $0x1;
	s4 =	sadd.s32 s21, s2  }
0x9d: {  	[timem:s6], [sflag:s22] =	dma.local [hbm:s4], s20  }
0x9e: {  	_ =	swait.ge [sflag:s22], s20  }
0x9f: {  	s3 =	ssub.s32 $0x0, s20;
	[sflag:s22] =	ssyncset.done $0x0  }
0xa0: {  	[sflag:s22] =	ssyncadd.s32 s3;
	_ =	sdelay $0x1  }
0xa1: {  	s23 =	simm.s32 $0x1B8B  }
0xa2: {  	_ =	swait.ge [sflag:s23], $0x1  }
0xa3: {  	[sflag:s23] =	ssyncset.done $0x0  }
0xa4: {  	s25 =	simm.s32 $0x1B8E;
	s24 =	sld [smem:$0x3FFE];
	[sflag:s23] =	ssyncadd.s32 $0xFFFFFFFF  }
0xa5: {  	s26 =	simm.s32 $execute0_lowered;
	[smem:$0x3FD2] =	sst s25  }
0xa6: {  	s4 =	sshll.u32 s26, $0x1;
	_ =	strace $0x8000004C;
	[dreg:$0x1] =	wrdreg $0xFFFFFFFF  }
0xa7: {  	s28 =	simm.s32 $_size_execute0_lowered;
	s2 =	sadd.s32 s2, s4;
	[dreg:$0x0] =	wrdreg $0x0  }
0xa8: {  	s4 =	sshll.u32 s28, $0x1;
	[dreg:$0x2] =	wrdreg s2  }
0xa9: {  	[dreg:$0x3] =	wrdreg s4  }
0xaa: {  	[dreg:$0x4] =	wrdreg $0xC0  }
0xab: {  	_ =	task [dreg:s6], $0x5FFFF  }
0xac: {  	[dreg:$0x1] =	wrdreg $0xFFFFFFFF  }
0xad: {  	[dreg:$0x0] =	wrdreg $0x60  }
0xae: {  	[dreg:$0x2] =	wrdreg s24  }
0xaf: {  	[dreg:$0x3] =	wrdreg $0x15B000  }
0xb0: {  	[dreg:$0x4] =	wrdreg $0xBD000  }
0xb1: {  	[dreg:$0x5] =	wrdreg $0x9  }
0xb2: {  	_ =	task.clear_ibuf [dreg:s6], $0x6FFFF;
	_ =	strace $0x9000004C  }
0xb3: {  	s29 =	simm.s32 $0x9;
	_ =	strace $0x80000051  }
0xb4: {  	_ =	swait.ge [sflag:s29], $0x1  }
0xb5: {  	[sflag:s29] =	ssyncadd.s32 $0xFFFFFFFF  }
0xb6: {  	_ =	strace $0x90000051  }
0xb7: {  	_ =	sfence  }
0xb8: {  	s30 =	sld [smem:$0x0];
	_ =	sdelay $0x2  }
0xb9: {  	s31 =	sshll.u32 s1, $0xD;
	s1 =	sshrl.u32 s1, $0x2  }
0xba: {  	s3 =	sand.u32 $0x4000, s31;
	s1 =	sadd.s32 s1, s30  }
0xbb: {  	s0 =	sor.u32 s3, s0;
	s1 =	sshll.u32 s1, $0x11  }
0xbc: {  	s0 =	sor.u32 s1, s0  }
0xbd: {  	s0 =	sadd.s32 $0x8F2B, s0  }
0xbe: {  	[sflag:s0] =	ssyncadd.remote.s32 $0x1  }
0xbf: {  	_ =	sfence.sel $0xFFFF  }
0xc0: {  	[dreg:$0x0] =	wrdreg $0xFFFFFFFF;
	(pc) =	sbr.abs _section_cstart, $3  }
0xc1: {  	[dreg:$0x1] =	wrdreg $0xFFFFFFFF  }
0xc2: {  	_ =	task.clear_ibuf [dreg:s6], $0x2FFFF;
	_ =	strace $0x9FFFFFFF  }
0xc3: {  	(tm) =	ssettm $0x7FFFFFFF  }
tec
execute0_lowered:
.L_overlay_start_1:
0x0: {  	(tag) =	ssettag $0x1  }
0x1: {  	s1 =	srdreg.scid;
	s5 =	rddreg [dreg:$0x0]  }
0x2: {  	s0 =	stileid.u32;
	s2 =	rddreg [dreg:$0x1]  }
0x3: {  	s3 =	rddreg [dreg:$0x2];
	s4 =	simm.s32 $0x0;
	s16 =	simm.s32 $0x4  }
0x4: {  	s17 =	simm.s32 $0x80;
	s18 =	simm.s32 $0x5D00;
	s19 =	simm.s32 $0x7D00  }
0x5: {  	s20 =	simm.s32 $0x9D00;
	s21 =	simm.s32 $0x1;
	s22 =	simm.s32 $0x2  }
0x6: {  	s23 =	simm.s32 $0x3;
	s24 =	simm.s32 $0x5;
	s25 =	simm.s32 $0x0  }
0x7: {  	s9 =	sand.u32 $0x1, s1;
	s29 =	sshll.u32 s0, $0x1;
	s7 =	smul.u32 $0x9E00, s0  }
0x8: {  	[smem:$0x7FF] =	sst s4;
	s1 =	sor.u32 s9, s29;
	s8 =	smul.u32 $0x9E000, s9  }
0x9: {  	s31 =	ssub.s32 $0x2, s9;
	p0 =	seq.s32 s9, $0x1;
	s6 =	smul.u32 $0x5D0, s1  }
0xa: {  	s1 =	rddreg [dreg:$0x3];
	_ =	strace $0x8000004D;
	s11 =	sshrl.u32 s7, $0x3  }
0xb: {  	s12 =	sshrl.u32 s31, $0x1;
	s14 =	sadd.s32 s7, s2;
	s15 =	sadd.s32 s7, s3  }
0xc: {  	s30 =	sadd.s32 s7, s8;
	s11 =	sadd.s32 s11, s5;
	s12 =	ssub.s32 s31, s12  }
.Ltmp0:
0xd: {  	s10 =	sadd.s32 s6, s5;
	s6 =	sshrl.u32 s30, $0x3;
	(pc) =	sbr.rel .LBB2_1-.Ltmp0, $4  }
0xe: {  	s13 =	sadd.s32 s6, s5;
	s5 =	sadd.s32 $0x18C00, s11;
	s6 =	sadd.s32 $0x2C800, s11  }
0xf: {  	s7 =	sadd.s32 $0xD200, s10;
	s8 =	sadd.s32 $0x1800, s10;
	s10 =	sshll.u32 s0, $0x6  }
0x10: {  	s11 =	smax.u32 s12, $0x1;
	s9 =	sadd.s32 $0x40400, s13;
	s12 =	sor.u32 $0x1C04, s10  }
0x11: {  	s13 =	sshrl.u32 s14, $0x3;
	s14 =	sshrl.u32 s15, $0x3;
	s15 =	simm.s32 $0x2E80  }
.LBB2_7:
0x12: {  	s26 =	sshra.s32 s26, $0x2;
	[sflag:s16] =	ssyncadd.s32 $0xFFFFE000  }
0x13: {  	[tilespmem:s18], [sflag:$0x1] =	stream.indirect.gather [spmem:s2], $0x40, s26, s17, $0x2000b8;
	[tilespmem:$0x1F900] =	vst v63  }
0x14: {  	s28 =	sadd.s32 $0x80, s26  }
0x15: {  	[tilespmem:s19], [sflag:$0x2] =	stream.indirect.gather [spmem:s2], $0x40, s28, s17, $0x2000b8;
	[tilespmem:$0x1F900] =	vst v63  }
0x16: {  	s29 =	sadd.s32 $0x100, s26  }
0x17: {  	[tilespmem:s20], [sflag:$0x3] =	stream.indirect.gather [spmem:s2], $0x40, s29, s17, $0x2000b8;
	[tilespmem:$0x1F900] =	vst v63  }
0x18: {  	_ =	swait.ge [sflag:s21], $0x2000  }
0x19: {  	[sflag:s21] =	ssyncset.done $0x0  }
0x1a: {  	s30 =	sadd.s32 $0x2E80, s26;
	[sflag:s21] =	ssyncadd.s32 $0xFFFFE000  }
0x1b: {  	[spmem:s3] =	stream.indirect.scatter.add.f32 [tilespmem:s18], [sflag:$0x4], $0x40, s30, s17, $0x2000b8;
	[tilespmem:$0x1F900] =	vst v63  }
0x1c: {  	_ =	swait.ge [sflag:s22], $0x2000  }
0x1d: {  	[sflag:s22] =	ssyncset.done $0x0  }
0x1e: {  	s31 =	sadd.s32 $0x2F00, s26;
	[sflag:s22] =	ssyncadd.s32 $0xFFFFE000  }
0x1f: {  	[spmem:s3] =	stream.indirect.scatter.add.f32 [tilespmem:s19], [sflag:$0x4], $0x40, s31, s17, $0x2000b8;
	[tilespmem:$0x1F900] =	vst v63  }
0x20: {  	_ =	swait.ge [sflag:s23], $0x2000  }
0x21: {  	[sflag:s23] =	ssyncset.done $0x0  }
0x22: {  	s26 =	sadd.s32 $0x2F80, s26;
	[sflag:s23] =	ssyncadd.s32 $0xFFFFE000  }
0x23: {  	[spmem:s3] =	stream.indirect.scatter.add.f32 [tilespmem:s20], [sflag:$0x4], $0x40, s26, s17, $0x2000b8;
	[tilespmem:$0x1F900] =	vst v63  }
0x24: {  	_ =	swait.ge [sflag:s16], $0x2000  }
0x25: {  	[sflag:s16] =	ssyncset.done $0x0  }
0x26: {  	[sflag:s16] =	ssyncadd.s32 $0xFFFFE000  }
0x27: {  	_ =	swait.ge [sflag:s16], $0x2000  }
0x28: {  	[sflag:s16] =	ssyncset.done $0x0  }
0x29: {  	[sflag:s16] =	ssyncadd.s32 $0xFFFFE000  }
0x2a: {  	_ =	swait.ge [sflag:s16], $0x2000  }
0x2b: {  	[sflag:s16] =	ssyncset.done $0x0  }
0x2c: {  	[sflag:s16] =	ssyncadd.s32 $0xFFFFE000  }
.LBB2_8:
0x2d: {  	[bflag:$0x0] =	sbarrier.arrive $0xFFFF  }
0x2e: {  	s25 =	sadd.s32 $0x1, s25;
	_ =	strace $0x9000004F  }
0x2f: {  	s26 =	sor.u32 $0x1C05, s10;
	p1 =	sne.s32 s25, s11;
	_ =	strace $0x80000050  }
0x30: {  	[hbm:s9], [sflag:s26] =	dma.local [spmem:s14], $0x13C0  }
.Ltmp1:
0x31: {  	_ = 	snop;
	(pc) =	sbr.rel @!p1 .LBB2_9-.Ltmp1, $4  }
0x32: {  	_ =	swait.ge [sflag:s24], $0x13C0  }
0x33: {  	[sflag:s24] =	ssyncset.done $0x0  }
0x34: {  	[sflag:s24] =	ssyncadd.s32 $0xFFFFEC40  }
0x35: {  	_ =	strace $0x90000050  }
.LBB2_1:
0x36: {  	_ =	strace $0x8000004E  }
0x37: {  	[spmem:s13], [sflag:s12] =	dma.local [hbm:s5], $0x13C0  }
0x38: {  	[spmem:s14], [sflag:s12] =	dma.local [hbm:s6], $0x13C0  }
0x39: {  	[tilespmem:s4], [sflag:$0x4] =	stream.linear.gather [hbm4b:s7+s4], $0x2E80, $0x200038;
	[tilespmem:$0x1F900] =	vst v63  }
0x3a: {  	_ = 	snop  }
0x3b: {  	[tilespmem:s15], [sflag:$0x4] =	stream.linear.gather [hbm4b:s8+s4], $0x2E80, $0x200038;
	[tilespmem:$0x1F900] =	vst v63  }
0x3c: {  	_ =	swait.ge [sflag:s16], $0x13C0  }
0x3d: {  	[sflag:s16] =	ssyncset.done $0x0  }
0x3e: {  	[sflag:s16] =	ssyncadd.s32 $0xFFFFEC40  }
0x3f: {  	_ =	swait.ge [sflag:s16], $0x13C0  }
0x40: {  	[sflag:s16] =	ssyncset.done $0x0  }
0x41: {  	[sflag:s16] =	ssyncadd.s32 $0xFFFFEC40  }
0x42: {  	_ =	swait.ge [sflag:s16], $0x2E80  }
0x43: {  	[sflag:s16] =	ssyncset.done $0x0  }
0x44: {  	[sflag:s16] =	ssyncadd.s32 $0xFFFFD180  }
0x45: {  	_ =	swait.ge [sflag:s16], $0x2E80  }
.Ltmp2:
0x46: {  	[sflag:s16] =	ssyncset.done $0x0;
	(pc) =	sbr.rel @!p0 .LBB2_2-.Ltmp2, $4  }
0x47: {  	[sflag:s16] =	ssyncadd.s32 $0xFFFFD180  }
0x48: {  	[bflag:$0x0] =	sbarrier.arrive $0xFFFF  }
0x49: {  	_ =	strace $0x9000004E  }
0x4a: {  	s26 =	simm.s32 $0x0;
	_ =	strace $0x8000004F  }
0x4b: {  	[tilespmem:s18], [sflag:$0x1] =	stream.indirect.gather [spmem:s2], $0x40, s26, s17, $0x2000b8;
	[tilespmem:$0x1F900] =	vst v63  }
0x4c: {  	s30 =	simm.s32 $0x80  }
0x4d: {  	[tilespmem:s19], [sflag:$0x2] =	stream.indirect.gather [spmem:s2], $0x40, s30, s17, $0x2000b8;
	[tilespmem:$0x1F900] =	vst v63  }
0x4e: {  	s31 =	simm.s32 $0x100  }
0x4f: {  	[tilespmem:s20], [sflag:$0x3] =	stream.indirect.gather [spmem:s2], $0x40, s31, s17, $0x2000b8;
	[tilespmem:$0x1F900] =	vst v63  }
0x50: {  	_ =	swait.ge [sflag:s21], $0x2000  }
0x51: {  	[sflag:s21] =	ssyncset.done $0x0  }
0x52: {  	s29 =	simm.s32 $0x2E80;
	[sflag:s21] =	ssyncadd.s32 $0xFFFFE000  }
0x53: {  	[spmem:s3] =	stream.indirect.scatter.add.f32 [tilespmem:s18], [sflag:$0x4], $0x40, s29, s17, $0x2000b8;
	[tilespmem:$0x1F900] =	vst v63  }
0x54: {  	_ =	swait.ge [sflag:s22], $0x2000  }
0x55: {  	[sflag:s22] =	ssyncset.done $0x0  }
0x56: {  	s30 =	simm.s32 $0x2F00;
	[sflag:s22] =	ssyncadd.s32 $0xFFFFE000  }
0x57: {  	[spmem:s3] =	stream.indirect.scatter.add.f32 [tilespmem:s19], [sflag:$0x4], $0x40, s30, s17, $0x2000b8;
	[tilespmem:$0x1F900] =	vst v63  }
0x58: {  	_ =	swait.ge [sflag:s23], $0x2000  }
0x59: {  	[sflag:s23] =	ssyncset.done $0x0  }
0x5a: {  	s31 =	simm.s32 $0x2F80;
	[sflag:s23] =	ssyncadd.s32 $0xFFFFE000  }
0x5b: {  	[spmem:s3] =	stream.indirect.scatter.add.f32 [tilespmem:s20], [sflag:$0x4], $0x40, s31, s17, $0x2000b8;
	[tilespmem:$0x1F900] =	vst v63  }
0x5c: {  	_ =	swait.ge [sflag:s16], $0x2000  }
0x5d: {  	[sflag:s16] =	ssyncset.done $0x0  }
0x5e: {  	[sflag:s16] =	ssyncadd.s32 $0xFFFFE000  }
0x5f: {  	_ =	swait.ge [sflag:s16], $0x2000  }
0x60: {  	[sflag:s16] =	ssyncset.done $0x0  }
0x61: {  	[sflag:s16] =	ssyncadd.s32 $0xFFFFE000  }
0x62: {  	_ =	swait.ge [sflag:s16], $0x2000  }
0x63: {  	s26 =	simm.s32 $0x600;
	s28 =	simm.s32 $0xC00;
	[sflag:s16] =	ssyncset.done $0x0  }
.LBB2_6:
0x64: {  	s29 =	sshra.s32 s26, $0x2  }
0x65: {  	[sflag:s16] =	ssyncadd.s32 $0xFFFFE000;
	s26 =	smov.u32 s28;
	s30 =	sadd.s32 $0x600, s28  }
0x66: {  	[tilespmem:s18], [sflag:$0x1] =	stream.indirect.gather [spmem:s2], $0x40, s29, s17, $0x2000b8;
	[tilespmem:$0x1F900] =	vst v63  }
0x67: {  	p1 =	sne.s32 s28, $0x8400;
	s28 =	sadd.s32 $0x80, s29  }
0x68: {  	[tilespmem:s19], [sflag:$0x2] =	stream.indirect.gather [spmem:s2], $0x40, s28, s17, $0x2000b8;
	[tilespmem:$0x1F900] =	vst v63  }
0x69: {  	s28 =	sadd.s32 $0x100, s29  }
0x6a: {  	[tilespmem:s20], [sflag:$0x3] =	stream.indirect.gather [spmem:s2], $0x40, s28, s17, $0x2000b8;
	[tilespmem:$0x1F900] =	vst v63  }
0x6b: {  	_ =	swait.ge [sflag:s21], $0x2000  }
0x6c: {  	[sflag:s21] =	ssyncset.done $0x0  }
0x6d: {  	s28 =	sadd.s32 $0x2E80, s29;
	[sflag:s21] =	ssyncadd.s32 $0xFFFFE000  }
0x6e: {  	[spmem:s3] =	stream.indirect.scatter.add.f32 [tilespmem:s18], [sflag:$0x4], $0x40, s28, s17, $0x2000b8;
	[tilespmem:$0x1F900] =	vst v63  }
0x6f: {  	_ =	swait.ge [sflag:s22], $0x2000  }
0x70: {  	[sflag:s22] =	ssyncset.done $0x0  }
0x71: {  	s28 =	sadd.s32 $0x2F00, s29;
	[sflag:s22] =	ssyncadd.s32 $0xFFFFE000  }
0x72: {  	[spmem:s3] =	stream.indirect.scatter.add.f32 [tilespmem:s19], [sflag:$0x4], $0x40, s28, s17, $0x2000b8;
	[tilespmem:$0x1F900] =	vst v63  }
0x73: {  	_ =	swait.ge [sflag:s23], $0x2000  }
0x74: {  	[sflag:s23] =	ssyncset.done $0x0  }
0x75: {  	s28 =	sadd.s32 $0x2F80, s29;
	[sflag:s23] =	ssyncadd.s32 $0xFFFFE000  }
0x76: {  	[spmem:s3] =	stream.indirect.scatter.add.f32 [tilespmem:s20], [sflag:$0x4], $0x40, s28, s17, $0x2000b8;
	[tilespmem:$0x1F900] =	vst v63  }
0x77: {  	_ =	swait.ge [sflag:s16], $0x2000  }
0x78: {  	[sflag:s16] =	ssyncset.done $0x0  }
0x79: {  	[sflag:s16] =	ssyncadd.s32 $0xFFFFE000  }
.Ltmp3:
0x7a: {  	_ =	swait.ge [sflag:s16], $0x2000;
	(pc) =	sbr.rel @p1 .LBB2_6-.Ltmp3, $4  }
0x7b: {  	[sflag:s16] =	ssyncset.done $0x0  }
0x7c: {  	[sflag:s16] =	ssyncadd.s32 $0xFFFFE000  }
0x7d: {  	_ =	swait.ge [sflag:s16], $0x2000  }
0x7e: {  	s28 =	smov.u32 s30;
	[sflag:s16] =	ssyncset.done $0x0  }
.Ltmp4:
0x7f: {  	_ = 	snop;
	(pc) =	sbr.rel .LBB2_7-.Ltmp4, $1  }
0x80: {  	_ =	sdelay $0x3  }
.LBB2_2:
0x81: {  	[tilespmem:s18], [sflag:$0x1] =	stream.indirect.gather [spmem:s2], $0x40, s26, s17, $0x2000b8;
	[tilespmem:$0x1F900] =	vst v63  }
0x82: {  	s30 =	simm.s32 $0x80  }
0x83: {  	[tilespmem:s19], [sflag:$0x2] =	stream.indirect.gather [spmem:s2], $0x40, s30, s17, $0x2000b8;
	[tilespmem:$0x1F900] =	vst v63  }
0x84: {  	s31 =	simm.s32 $0x100  }
0x85: {  	[tilespmem:s20], [sflag:$0x3] =	stream.indirect.gather [spmem:s2], $0x40, s31, s17, $0x2000b8;
	[tilespmem:$0x1F900] =	vst v63  }
0x86: {  	_ =	swait.ge [sflag:s21], $0x2000  }
0x87: {  	[sflag:s21] =	ssyncset.done $0x0  }
0x88: {  	s29 =	simm.s32 $0x2E80;
	[sflag:s21] =	ssyncadd.s32 $0xFFFFE000  }
0x89: {  	[spmem:s3] =	stream.indirect.scatter.add.f32 [tilespmem:s18], [sflag:$0x4], $0x40, s29, s17, $0x2000b8;
	[tilespmem:$0x1F900] =	vst v63  }
0x8a: {  	_ =	swait.ge [sflag:s22], $0x2000  }
0x8b: {  	[sflag:s22] =	ssyncset.done $0x0  }
0x8c: {  	s30 =	simm.s32 $0x2F00;
	[sflag:s22] =	ssyncadd.s32 $0xFFFFE000  }
0x8d: {  	[spmem:s3] =	stream.indirect.scatter.add.f32 [tilespmem:s19], [sflag:$0x4], $0x40, s30, s17, $0x2000b8;
	[tilespmem:$0x1F900] =	vst v63  }
0x8e: {  	_ =	swait.ge [sflag:s23], $0x2000  }
0x8f: {  	[sflag:s23] =	ssyncset.done $0x0  }
0x90: {  	s31 =	simm.s32 $0x2F80;
	[sflag:s23] =	ssyncadd.s32 $0xFFFFE000  }
0x91: {  	[spmem:s3] =	stream.indirect.scatter.add.f32 [tilespmem:s20], [sflag:$0x4], $0x40, s31, s17, $0x2000b8;
	[tilespmem:$0x1F900] =	vst v63  }
0x92: {  	_ =	swait.ge [sflag:s16], $0x2000  }
0x93: {  	[sflag:s16] =	ssyncset.done $0x0  }
0x94: {  	[sflag:s16] =	ssyncadd.s32 $0xFFFFE000  }
0x95: {  	_ =	swait.ge [sflag:s16], $0x2000  }
0x96: {  	[sflag:s16] =	ssyncset.done $0x0  }
0x97: {  	[sflag:s16] =	ssyncadd.s32 $0xFFFFE000  }
0x98: {  	_ =	swait.ge [sflag:s16], $0x2000  }
0x99: {  	s26 =	simm.s32 $0x600;
	s28 =	simm.s32 $0xC00;
	[sflag:s16] =	ssyncset.done $0x0  }
.LBB2_3:
0x9a: {  	s29 =	sshra.s32 s26, $0x2  }
0x9b: {  	[sflag:s16] =	ssyncadd.s32 $0xFFFFE000;
	s26 =	smov.u32 s28;
	s30 =	sadd.s32 $0x600, s28  }
0x9c: {  	[tilespmem:s18], [sflag:$0x1] =	stream.indirect.gather [spmem:s2], $0x40, s29, s17, $0x2000b8;
	[tilespmem:$0x1F900] =	vst v63  }
0x9d: {  	p1 =	seq.s32 s28, $0xB400;
	s28 =	sadd.s32 $0x80, s29  }
0x9e: {  	[tilespmem:s19], [sflag:$0x2] =	stream.indirect.gather [spmem:s2], $0x40, s28, s17, $0x2000b8;
	[tilespmem:$0x1F900] =	vst v63  }
0x9f: {  	s28 =	sadd.s32 $0x100, s29  }
0xa0: {  	[tilespmem:s20], [sflag:$0x3] =	stream.indirect.gather [spmem:s2], $0x40, s28, s17, $0x2000b8;
	[tilespmem:$0x1F900] =	vst v63  }
0xa1: {  	_ =	swait.ge [sflag:s21], $0x2000  }
0xa2: {  	[sflag:s21] =	ssyncset.done $0x0  }
0xa3: {  	s28 =	sadd.s32 $0x2E80, s29;
	[sflag:s21] =	ssyncadd.s32 $0xFFFFE000  }
0xa4: {  	[spmem:s3] =	stream.indirect.scatter.add.f32 [tilespmem:s18], [sflag:$0x4], $0x40, s28, s17, $0x2000b8;
	[tilespmem:$0x1F900] =	vst v63  }
0xa5: {  	_ =	swait.ge [sflag:s22], $0x2000  }
0xa6: {  	[sflag:s22] =	ssyncset.done $0x0  }
0xa7: {  	s28 =	sadd.s32 $0x2F00, s29;
	[sflag:s22] =	ssyncadd.s32 $0xFFFFE000  }
0xa8: {  	[spmem:s3] =	stream.indirect.scatter.add.f32 [tilespmem:s19], [sflag:$0x4], $0x40, s28, s17, $0x2000b8;
	[tilespmem:$0x1F900] =	vst v63  }
0xa9: {  	_ =	swait.ge [sflag:s23], $0x2000  }
0xaa: {  	[sflag:s23] =	ssyncset.done $0x0  }
0xab: {  	s28 =	sadd.s32 $0x2F80, s29;
	[sflag:s23] =	ssyncadd.s32 $0xFFFFE000  }
0xac: {  	[spmem:s3] =	stream.indirect.scatter.add.f32 [tilespmem:s20], [sflag:$0x4], $0x40, s28, s17, $0x2000b8;
	[tilespmem:$0x1F900] =	vst v63  }
0xad: {  	_ =	swait.ge [sflag:s16], $0x2000  }
0xae: {  	[sflag:s16] =	ssyncset.done $0x0  }
0xaf: {  	[sflag:s16] =	ssyncadd.s32 $0xFFFFE000  }
.Ltmp5:
0xb0: {  	_ =	swait.ge [sflag:s16], $0x2000;
	(pc) =	sbr.rel @!p1 .LBB2_3-.Ltmp5, $4  }
0xb1: {  	[sflag:s16] =	ssyncset.done $0x0  }
0xb2: {  	[sflag:s16] =	ssyncadd.s32 $0xFFFFE000  }
0xb3: {  	_ =	swait.ge [sflag:s16], $0x2000  }
0xb4: {  	s28 =	smov.u32 s30;
	[sflag:s16] =	ssyncset.done $0x0  }
0xb5: {  	s26 =	sshra.s32 s26, $0x2;
	[sflag:s16] =	ssyncadd.s32 $0xFFFFE000  }
0xb6: {  	[tilespmem:s18], [sflag:$0x1] =	stream.indirect.gather [spmem:s2], $0x40, s26, s17, $0x2000b8;
	[tilespmem:$0x1F900] =	vst v63  }
0xb7: {  	s28 =	sadd.s32 $0x80, s26  }
0xb8: {  	[tilespmem:s19], [sflag:$0x2] =	stream.indirect.gather [spmem:s2], $0x40, s28, s17, $0x2000b8;
	[tilespmem:$0x1F900] =	vst v63  }
0xb9: {  	s29 =	sadd.s32 $0x100, s26  }
0xba: {  	[tilespmem:s20], [sflag:$0x3] =	stream.indirect.gather [spmem:s2], $0x40, s29, s17, $0x2000b8;
	[tilespmem:$0x1F900] =	vst v63  }
0xbb: {  	_ =	swait.ge [sflag:s21], $0x2000  }
0xbc: {  	[sflag:s21] =	ssyncset.done $0x0  }
0xbd: {  	s30 =	sadd.s32 $0x2E80, s26;
	[sflag:s21] =	ssyncadd.s32 $0xFFFFE000  }
0xbe: {  	[spmem:s3] =	stream.indirect.scatter.add.f32 [tilespmem:s18], [sflag:$0x4], $0x40, s30, s17, $0x2000b8;
	[tilespmem:$0x1F900] =	vst v63  }
0xbf: {  	_ =	swait.ge [sflag:s22], $0x2000  }
0xc0: {  	[sflag:s22] =	ssyncset.done $0x0  }
0xc1: {  	s31 =	sadd.s32 $0x2F00, s26;
	[sflag:s22] =	ssyncadd.s32 $0xFFFFE000  }
0xc2: {  	[spmem:s3] =	stream.indirect.scatter.add.f32 [tilespmem:s19], [sflag:$0x4], $0x40, s31, s17, $0x2000b8;
	[tilespmem:$0x1F900] =	vst v63  }
0xc3: {  	_ =	swait.ge [sflag:s23], $0x2000  }
0xc4: {  	[sflag:s23] =	ssyncset.done $0x0  }
0xc5: {  	s26 =	sadd.s32 $0x2F80, s26;
	[sflag:s23] =	ssyncadd.s32 $0xFFFFE000  }
0xc6: {  	[spmem:s3] =	stream.indirect.scatter.add.f32 [tilespmem:s20], [sflag:$0x4], $0x40, s26, s17, $0x2000b8;
	[tilespmem:$0x1F900] =	vst v63  }
0xc7: {  	_ =	swait.ge [sflag:s16], $0x2000  }
0xc8: {  	[sflag:s16] =	ssyncset.done $0x0  }
0xc9: {  	[sflag:s16] =	ssyncadd.s32 $0xFFFFE000  }
0xca: {  	_ =	swait.ge [sflag:s16], $0x2000  }
.Ltmp6:
0xcb: {  	[sflag:s16] =	ssyncset.done $0x0;
	(pc) =	sbr.rel .LBB2_8-.Ltmp6, $4  }
0xcc: {  	[sflag:s16] =	ssyncadd.s32 $0xFFFFE000  }
0xcd: {  	_ =	swait.ge [sflag:s16], $0x2000  }
0xce: {  	[sflag:s16] =	ssyncset.done $0x0  }
0xcf: {  	[sflag:s16] =	ssyncadd.s32 $0xFFFFE000  }
.LBB2_9:
0xd0: {  	_ =	sfence.sel $0x180000  }
0xd1: {  	[bflag:$0x0] =	sbarrier.arrive $0xFFFF  }
0xd2: {  	p0 =	sne.s32 s0, $0x0;
	_ =	strace $0x9000004D  }
0xd3: {  	s0 =	sadd.s32 @!p0 $0x100000, s1;
	[bflag:$0x2] =	sbarrier.arrive $0xFFFF  }
0xd4: {  	[sflag:s0] =	ssyncadd.tile.s32 @!p0 $0x1;
	_ =	shalt  }
.Lfunc_end2:
_tile_overlayer_lowered:
.L_overlay_start_2:
0xd5: {  	(tag) =	ssettag $0x2  }
0xd6: {  	s0 =	rddreg [dreg:$0x0];
	s2 =	stileid.u32  }
0xd7: {  	s1 =	rddreg [dreg:$0x1];
	p0 =	sne.s32 s2, $0x0  }
0xd8: {  	s3 =	rddreg [dreg:$0x2];
	[bflag:$0x3] =	sbarrier.arrive $0xFFFF;
	s2 =	simm.s32 @!p0 $0x1C05  }
0xd9: {  	[timem:s3], [sflag:s2] =	dma.local @!p0 [hbm:s0], s1  }
0xda: {  	s0 =	simm.s32 @!p0 $0x5  }
0xdb: {  	_ =	swait.ge @!p0 [sflag:s0], s1  }
0xdc: {  	s1 =	ssub.s32 @!p0 $0x0, s1;
	[sflag:s0] =	ssyncset.done @!p0 $0x0  }
0xdd: {  	[sflag:s0] =	ssyncadd.s32 @!p0 s1  }
0xde: {  	[bflag:$0x3] =	sbarrier.arrive $0xFFFF  }
0xdf: {  	_ =	shalt  }

// kernel: kernel.7.cloned.1.call-start
scs
__scs_entry_jumppad:
0x0: {  	(pc) =	sbr.rel $0x88, $3  }
0x1: {  	(tag) =	ssettag $0x0;
	lr =	simm.s32 $0x1  }
0x2: {  	[smem:$0x3F94] =	sst lr;
	_ =	strace $0xD0000000  }
0x3: {  	_ = 	snop  }
0x4: {  	_ = 	snop  }
0x5: {  	_ = 	snop  }
0x6: {  	_ = 	snop  }
0x7: {  	_ = 	snop  }
__scs_overlays_trampoline_lowered:
0x8: {  	[smem:$0x3FA3] =	sst s0  }
0x9: {  	[smem:$0x3FA4] =	sst s1  }
0xa: {  	[smem:$0x3FA5] =	sst s2  }
0xb: {  	[smem:$0x3FA6] =	sst s3  }
0xc: {  	[smem:$0x3FA7] =	sst s4  }
0xd: {  	[smem:$0x3FA8] =	sst s5  }
0xe: {  	[smem:$0x3FA9] =	sst s6  }
0xf: {  	[smem:$0x3FAA] =	sst s7  }
0x10: {  	[smem:$0x3FAB] =	sst s8  }
0x11: {  	[smem:$0x3FAC] =	sst s9;
	s0 =	simm.s32 @!p0 $0x0  }
0x12: {  	s1 =	sld [smem:$0x3F92];
	s0 =	simm.s32 @p0 $0x1  }
0x13: {  	[smem:$0x3FAD] =	sst s0;
	s0 =	simm.s32 @!p1 $0x0  }
0x14: {  	s2 =	sld [smem:$0x3F91];
	s0 =	simm.s32 @p1 $0x1  }
0x15: {  	[smem:$0x3FAE] =	sst s0;
	s0 =	simm.s32 @!p2 $0x0  }
0x16: {  	s3 =	sld [smem:$0x3FDB];
	s0 =	simm.s32 @p2 $0x1  }
0x17: {  	s4 =	simm.s32 $0x1BF5;
	[smem:$0x3FB0] =	sst s0  }
0x18: {  	s0 =	sld [smem:$0x3F93];
	_ =	swait.ge [sflag:s4], $0x0  }
0x19: {  	s7 =	sld [smem:$0x3F94]  }
0x1a: {  	s8 =	sadd.s32 $0xFFFFE003, lr  }
0x1b: {  	s9 =	sadd.s32 $0xFFFFFEF7, lr;
	s5 =	simm.s32 $0xFFFFFFFF;
	p2 =	slt.u32 s8, $0xFFFFF086  }
0x1c: {  	p1 =	slt.u32 s9, $0xF7A;
	s5 =	simm.s32 @!p2 $0x0  }
0x1d: {  	s5 =	simm.s32 @p1 $0x1;
	p0 =	seq.s32 s7, s2  }
0x1e: {  	s7 =	smul.u32 @!p0 $0xF7A, s2;
	p2 =	seq.s32 @!p0 s5, $0x0  }
0x1f: {  	s9 =	smul.u32 $0xF7A, s1;
	s8 =	simm.s32 @!p0 $0x1BF5;
	p2 =	por !p2, p0  }
0x20: {  	[sflag:s8] =	ssyncset.s32 @!p0 $0xFFFFF086;
	s6 =	sadd.s32 @!p0 s3, s7;
	s7 =	simm.s32 @!p0 $0x108  }
0x21: {  	s3 =	sadd.s32 s3, s9;
	s6 =	sadd.s32 @!p0 $0x88, s6;
	s7 =	simm.s32 @p2 $0x1082  }
0x22: {  	[simem:s7], [sflag:s8] =	dma.local @!p0 [hbm:s6], $0xF7A  }
0x23: {  	s9 =	sor.u32 $0xD0000000, s2;
	s6 =	simm.s32 $0x108;
	_ =	swait.ge @!p0 [sflag:s8], $0x0  }
0x24: {  	s3 =	sadd.s32 $0x88, s3;
	s6 =	simm.s32 @!p1 $0x1082;
	[sflag:s4] =	ssyncset.s32 $0xFFFFF086  }
0x25: {  	[simem:s6], [sflag:s4] =	dma.local [hbm:s3], $0xF7A  }
0x26: {  	[smem:$0x3F94] =	sst s1;
	(tag) =	ssettag s2;
	_ =	strace s9  }
0x27: {  	s1 =	sld [smem:$0x3FA4]  }
0x28: {  	s2 =	sld [smem:$0x3FA5]  }
0x29: {  	s4 =	sld [smem:$0x3FA7]  }
0x2a: {  	p0 =	seq.s32 s5, $0x0;
	s5 =	sld [smem:$0x3FA8]  }
0x2b: {  	s6 =	sld [smem:$0x3FA9]  }
0x2c: {  	s7 =	sld [smem:$0x3FAA]  }
0x2d: {  	s3 =	simm.s32 $0x108;
	s8 =	sld [smem:$0x3FAB]  }
0x2e: {  	s3 =	simm.s32 @!p0 $0x1082;
	s9 =	sld [smem:$0x3FAC]  }
0x2f: {  	lr =	sadd.s32 s0, s3;
	s0 =	sld [smem:$0x3FA3]  }
0x30: {  	s3 =	sld [smem:$0x3FA6]  }
0x31: {  	[smem:$0x3FAF] =	sst s10  }
0x32: {  	s10 =	sld [smem:$0x3FAD];
	_ =	sdelay $0x3  }
0x33: {  	p0 =	seq.s32 s10, $0x1;
	s10 =	sld [smem:$0x3FAF];
	_ =	sdelay $0x3  }
0x34: {  	[smem:$0x3FAF] =	sst s10  }
0x35: {  	s10 =	sld [smem:$0x3FAE];
	_ =	sdelay $0x3  }
0x36: {  	p1 =	seq.s32 s10, $0x1;
	s10 =	sld [smem:$0x3FAF];
	_ =	sdelay $0x3  }
0x37: {  	[smem:$0x3FAF] =	sst s10  }
0x38: {  	s10 =	sld [smem:$0x3FB0]  }
0x39: {  	_ = 	snop;
	(pc) =	sbr.ind lr, $3  }
0x3a: {  	_ = 	snop  }
0x3b: {  	_ = 	snop  }
0x3c: {  	p2 =	seq.s32 s10, $0x1;
	s10 =	sld [smem:$0x3FAF]  }
0x3d: {  	_ =	shalt  }
0x3e: {  	_ =	shalt  }
0x3f: {  	_ =	shalt  }
0x40: {  	_ =	shalt  }
0x41: {  	_ =	shalt  }
0x42: {  	_ =	shalt  }
0x43: {  	_ =	shalt  }
0x44: {  	_ =	shalt  }
0x45: {  	_ =	shalt  }
0x46: {  	_ =	shalt  }
0x47: {  	_ =	shalt  }
0x48: {  	_ =	shalt  }
0x49: {  	_ =	shalt  }
0x4a: {  	_ =	shalt  }
0x4b: {  	_ =	shalt  }
0x4c: {  	_ =	shalt  }
0x4d: {  	_ =	shalt  }
0x4e: {  	_ =	shalt  }
0x4f: {  	_ =	shalt  }
0x50: {  	_ =	shalt  }
0x51: {  	_ =	shalt  }
0x52: {  	_ =	shalt  }
0x53: {  	_ =	shalt  }
0x54: {  	_ =	shalt  }
0x55: {  	_ =	shalt  }
0x56: {  	_ =	shalt  }
0x57: {  	_ =	shalt  }
0x58: {  	_ =	shalt  }
0x59: {  	_ =	shalt  }
0x5a: {  	_ =	shalt  }
0x5b: {  	_ =	shalt  }
0x5c: {  	_ =	shalt  }
0x5d: {  	_ =	shalt  }
0x5e: {  	_ =	shalt  }
0x5f: {  	_ =	shalt  }
0x60: {  	_ =	shalt  }
0x61: {  	_ =	shalt  }
0x62: {  	_ =	shalt  }
0x63: {  	_ =	shalt  }
0x64: {  	_ =	shalt  }
0x65: {  	_ =	shalt  }
0x66: {  	_ =	shalt  }
0x67: {  	_ =	shalt  }
0x68: {  	_ =	shalt  }
0x69: {  	_ =	shalt  }
0x6a: {  	_ =	shalt  }
0x6b: {  	_ =	shalt  }
0x6c: {  	_ =	shalt  }
0x6d: {  	_ =	shalt  }
0x6e: {  	_ =	shalt  }
0x6f: {  	_ =	shalt  }
0x70: {  	_ =	shalt  }
0x71: {  	_ =	shalt  }
0x72: {  	_ =	shalt  }
0x73: {  	_ =	shalt  }
0x74: {  	_ =	shalt  }
0x75: {  	_ =	shalt  }
0x76: {  	_ =	shalt  }
0x77: {  	_ =	shalt  }
0x78: {  	_ =	shalt  }
0x79: {  	_ =	shalt  }
0x7a: {  	_ =	shalt  }
0x7b: {  	_ =	shalt  }
0x7c: {  	_ =	shalt  }
0x7d: {  	_ =	shalt  }
0x7e: {  	_ =	shalt  }
0x7f: {  	_ =	shalt  }
0x80: {  	_ =	shalt  }
0x81: {  	_ =	shalt  }
0x82: {  	_ =	shalt  }
0x83: {  	_ =	shalt  }
0x84: {  	_ =	shalt  }
0x85: {  	_ =	shalt  }
0x86: {  	_ =	shalt  }
0x87: {  	_ =	shalt  }
.Lfunc_end0:
.L_simem_size_0:
called_computation_lowered:
.L_overlay_start_0:
0x88: {  	s2 =	sld [smem:$0x3FD9]  }
0x89: {  	s3 =	sld [smem:$0x3FFE];
	_ =	sdelay $0x1  }
0x8a: {  	s1 =	srdreg.scid  }
0x8b: {  	s0 =	sand.u32 $0x1, s1  }
0x8c: {  	s16 =	sshll.u32 s0, $0xA;
	s2 =	sadd.s32 s3, s2  }
0x8d: {  	s2 =	sadd.s32 s2, s16  }
0x8e: {  	[smem:$0x3FBB] =	sst s2  }
0x8f: {  	_ = 	snop  }
0x90: {  	(tm) =	ssettm $0x1  }
0x91: {  	s17 =	sld [smem:$0x3FFB];
	_ =	sdelay $0x3  }
0x92: {  	_ =	strace s17  }
0x93: {  	s2 =	sld [smem:$0x3FFC];
	_ =	sdelay $0x3  }
0x94: {  	_ =	strace s2  }
0x95: {  	s2 =	sld [smem:$0x3FFD];
	_ =	sdelay $0x3  }
0x96: {  	_ =	strace s2  }
0x97: {  	_ =	strace $0x8FFFFFFF  }
0x98: {  	s18 =	sld [smem:$0x3FDB];
	_ =	sdelay $0x1  }
0x99: {  	s19 =	simm.s32 $_scs_section_size  }
0x9a: {  	s4 =	simm.s32 $_size__tile_overlayer_lowered;
	s5 =	simm.s32 $_tile_overlayer_lowered  }
0x9b: {  	s22 =	simm.s32 $0x1BFF;
	s21 =	sshll.u32 s5, $0x1;
	s2 =	sadd.s32 s19, s18  }
0x9c: {  	s6 =	simm.s32 $0x0;
	s20 =	sshll.u32 s4, $0x1;
	s4 =	sadd.s32 s21, s2  }
0x9d: {  	[timem:s6], [sflag:s22] =	dma.local [hbm:s4], s20  }
0x9e: {  	_ =	swait.ge [sflag:s22], s20  }
0x9f: {  	s3 =	ssub.s32 $0x0, s20;
	[sflag:s22] =	ssyncset.done $0x0  }
0xa0: {  	[sflag:s22] =	ssyncadd.s32 s3;
	_ =	sdelay $0x1  }
0xa1: {  	s23 =	simm.s32 $0x1B8B  }
0xa2: {  	_ =	swait.ge [sflag:s23], $0x1  }
0xa3: {  	[sflag:s23] =	ssyncset.done $0x0  }
0xa4: {  	s25 =	simm.s32 $0x1B8E;
	s24 =	sld [smem:$0x3FFE];
	[sflag:s23] =	ssyncadd.s32 $0xFFFFFFFF  }
0xa5: {  	s26 =	simm.s32 $execute0_lowered;
	[smem:$0x3FD2] =	sst s25  }
0xa6: {  	s4 =	sshll.u32 s26, $0x1;
	_ =	strace $0x80000046;
	[dreg:$0x1] =	wrdreg $0xFFFFFFFF  }
0xa7: {  	s28 =	simm.s32 $_size_execute0_lowered;
	s2 =	sadd.s32 s2, s4;
	[dreg:$0x0] =	wrdreg $0x0  }
0xa8: {  	s4 =	sshll.u32 s28, $0x1;
	[dreg:$0x2] =	wrdreg s2  }
0xa9: {  	[dreg:$0x3] =	wrdreg s4  }
0xaa: {  	[dreg:$0x4] =	wrdreg $0xC0  }
0xab: {  	_ =	task [dreg:s6], $0x5FFFF  }
0xac: {  	[dreg:$0x1] =	wrdreg $0xFFFFFFFF  }
0xad: {  	[dreg:$0x0] =	wrdreg $0x60  }
0xae: {  	[dreg:$0x2] =	wrdreg s24  }
0xaf: {  	[dreg:$0x3] =	wrdreg $0x15B000  }
0xb0: {  	[dreg:$0x4] =	wrdreg $0xBD000  }
0xb1: {  	[dreg:$0x5] =	wrdreg $0x9  }
0xb2: {  	_ =	task.clear_ibuf [dreg:s6], $0x6FFFF;
	_ =	strace $0x90000046  }
0xb3: {  	s29 =	simm.s32 $0x9;
	_ =	strace $0x8000004B  }
0xb4: {  	_ =	swait.ge [sflag:s29], $0x1  }
0xb5: {  	[sflag:s29] =	ssyncadd.s32 $0xFFFFFFFF  }
0xb6: {  	_ =	strace $0x9000004B  }
0xb7: {  	_ =	sfence  }
0xb8: {  	s30 =	sld [smem:$0x0];
	_ =	sdelay $0x2  }
0xb9: {  	s31 =	sshll.u32 s1, $0xD;
	s1 =	sshrl.u32 s1, $0x2  }
0xba: {  	s3 =	sand.u32 $0x4000, s31;
	s1 =	sadd.s32 s1, s30  }
0xbb: {  	s0 =	sor.u32 s3, s0;
	s1 =	sshll.u32 s1, $0x11  }
0xbc: {  	s0 =	sor.u32 s1, s0  }
0xbd: {  	s0 =	sadd.s32 $0x8F2B, s0  }
0xbe: {  	[sflag:s0] =	ssyncadd.remote.s32 $0x1  }
0xbf: {  	_ =	sfence.sel $0xFFFF  }
0xc0: {  	[dreg:$0x0] =	wrdreg $0xFFFFFFFF;
	(pc) =	sbr.abs _section_cstart, $3  }
0xc1: {  	[dreg:$0x1] =	wrdreg $0xFFFFFFFF  }
0xc2: {  	_ =	task.clear_ibuf [dreg:s6], $0x2FFFF;
	_ =	strace $0x9FFFFFFF  }
0xc3: {  	(tm) =	ssettm $0x7FFFFFFF  }
tec
execute0_lowered:
.L_overlay_start_1:
0x0: {  	(tag) =	ssettag $0x1  }
0x1: {  	s1 =	srdreg.scid;
	s5 =	rddreg [dreg:$0x0]  }
0x2: {  	s0 =	stileid.u32;
	s2 =	rddreg [dreg:$0x1]  }
0x3: {  	s3 =	rddreg [dreg:$0x2];
	s4 =	simm.s32 $0x0;
	s16 =	simm.s32 $0x4  }
0x4: {  	s17 =	simm.s32 $0x80;
	s18 =	simm.s32 $0x5D00;
	s19 =	simm.s32 $0x7D00  }
0x5: {  	s20 =	simm.s32 $0x9D00;
	s21 =	simm.s32 $0x1;
	s22 =	simm.s32 $0x2  }
0x6: {  	s23 =	simm.s32 $0x3;
	s24 =	simm.s32 $0x5;
	s25 =	simm.s32 $0x0  }
0x7: {  	s9 =	sand.u32 $0x1, s1;
	s29 =	sshll.u32 s0, $0x1;
	s7 =	smul.u32 $0x9E00, s0  }
0x8: {  	[smem:$0x7FF] =	sst s4;
	s1 =	sor.u32 s9, s29;
	s8 =	smul.u32 $0x9E000, s9  }
0x9: {  	s31 =	ssub.s32 $0x2, s9;
	p0 =	seq.s32 s9, $0x1;
	s6 =	smul.u32 $0x5D0, s1  }
0xa: {  	s1 =	rddreg [dreg:$0x3];
	_ =	strace $0x80000047;
	s11 =	sshrl.u32 s7, $0x3  }
0xb: {  	s12 =	sshrl.u32 s31, $0x1;
	s14 =	sadd.s32 s7, s2;
	s15 =	sadd.s32 s7, s3  }
0xc: {  	s30 =	sadd.s32 s7, s8;
	s11 =	sadd.s32 s11, s5;
	s12 =	ssub.s32 s31, s12  }
.Ltmp0:
0xd: {  	s10 =	sadd.s32 s6, s5;
	s6 =	sshrl.u32 s30, $0x3;
	(pc) =	sbr.rel .LBB2_1-.Ltmp0, $4  }
0xe: {  	s13 =	sadd.s32 s6, s5;
	s5 =	sadd.s32 $0x18C00, s11;
	s6 =	sadd.s32 $0x2C800, s11  }
0xf: {  	s7 =	sadd.s32 $0xD200, s10;
	s8 =	sadd.s32 $0x1800, s10;
	s10 =	sshll.u32 s0, $0x6  }
0x10: {  	s11 =	smax.u32 s12, $0x1;
	s9 =	sadd.s32 $0x40400, s13;
	s12 =	sor.u32 $0x1C04, s10  }
0x11: {  	s13 =	sshrl.u32 s14, $0x3;
	s14 =	sshrl.u32 s15, $0x3;
	s15 =	simm.s32 $0x2E80  }
.LBB2_7:
0x12: {  	s26 =	sshra.s32 s26, $0x2;
	[sflag:s16] =	ssyncadd.s32 $0xFFFFE000  }
0x13: {  	[tilespmem:s18], [sflag:$0x1] =	stream.indirect.gather [spmem:s2], $0x40, s26, s17, $0x2000b8;
	[tilespmem:$0x1F900] =	vst v63  }
0x14: {  	s28 =	sadd.s32 $0x80, s26  }
0x15: {  	[tilespmem:s19], [sflag:$0x2] =	stream.indirect.gather [spmem:s2], $0x40, s28, s17, $0x2000b8;
	[tilespmem:$0x1F900] =	vst v63  }
0x16: {  	s29 =	sadd.s32 $0x100, s26  }
0x17: {  	[tilespmem:s20], [sflag:$0x3] =	stream.indirect.gather [spmem:s2], $0x40, s29, s17, $0x2000b8;
	[tilespmem:$0x1F900] =	vst v63  }
0x18: {  	_ =	swait.ge [sflag:s21], $0x2000  }
0x19: {  	[sflag:s21] =	ssyncset.done $0x0  }
0x1a: {  	s30 =	sadd.s32 $0x2E80, s26;
	[sflag:s21] =	ssyncadd.s32 $0xFFFFE000  }
0x1b: {  	[spmem:s3] =	stream.indirect.scatter.add.f32 [tilespmem:s18], [sflag:$0x4], $0x40, s30, s17, $0x2000b8;
	[tilespmem:$0x1F900] =	vst v63  }
0x1c: {  	_ =	swait.ge [sflag:s22], $0x2000  }
0x1d: {  	[sflag:s22] =	ssyncset.done $0x0  }
0x1e: {  	s31 =	sadd.s32 $0x2F00, s26;
	[sflag:s22] =	ssyncadd.s32 $0xFFFFE000  }
0x1f: {  	[spmem:s3] =	stream.indirect.scatter.add.f32 [tilespmem:s19], [sflag:$0x4], $0x40, s31, s17, $0x2000b8;
	[tilespmem:$0x1F900] =	vst v63  }
0x20: {  	_ =	swait.ge [sflag:s23], $0x2000  }
0x21: {  	[sflag:s23] =	ssyncset.done $0x0  }
0x22: {  	s26 =	sadd.s32 $0x2F80, s26;
	[sflag:s23] =	ssyncadd.s32 $0xFFFFE000  }
0x23: {  	[spmem:s3] =	stream.indirect.scatter.add.f32 [tilespmem:s20], [sflag:$0x4], $0x40, s26, s17, $0x2000b8;
	[tilespmem:$0x1F900] =	vst v63  }
0x24: {  	_ =	swait.ge [sflag:s16], $0x2000  }
0x25: {  	[sflag:s16] =	ssyncset.done $0x0  }
0x26: {  	[sflag:s16] =	ssyncadd.s32 $0xFFFFE000  }
0x27: {  	_ =	swait.ge [sflag:s16], $0x2000  }
0x28: {  	[sflag:s16] =	ssyncset.done $0x0  }
0x29: {  	[sflag:s16] =	ssyncadd.s32 $0xFFFFE000  }
0x2a: {  	_ =	swait.ge [sflag:s16], $0x2000  }
0x2b: {  	[sflag:s16] =	ssyncset.done $0x0  }
0x2c: {  	[sflag:s16] =	ssyncadd.s32 $0xFFFFE000  }
.LBB2_8:
0x2d: {  	[bflag:$0x0] =	sbarrier.arrive $0xFFFF  }
0x2e: {  	s25 =	sadd.s32 $0x1, s25;
	_ =	strace $0x90000049  }
0x2f: {  	s26 =	sor.u32 $0x1C05, s10;
	p1 =	sne.s32 s25, s11;
	_ =	strace $0x8000004A  }
0x30: {  	[hbm:s9], [sflag:s26] =	dma.local [spmem:s14], $0x13C0  }
.Ltmp1:
0x31: {  	_ = 	snop;
	(pc) =	sbr.rel @!p1 .LBB2_9-.Ltmp1, $4  }
0x32: {  	_ =	swait.ge [sflag:s24], $0x13C0  }
0x33: {  	[sflag:s24] =	ssyncset.done $0x0  }
0x34: {  	[sflag:s24] =	ssyncadd.s32 $0xFFFFEC40  }
0x35: {  	_ =	strace $0x9000004A  }
.LBB2_1:
0x36: {  	_ =	strace $0x80000048  }
0x37: {  	[spmem:s13], [sflag:s12] =	dma.local [hbm:s5], $0x13C0  }
0x38: {  	[spmem:s14], [sflag:s12] =	dma.local [hbm:s6], $0x13C0  }
0x39: {  	[tilespmem:s4], [sflag:$0x4] =	stream.linear.gather [hbm4b:s7+s4], $0x2E80, $0x200038;
	[tilespmem:$0x1F900] =	vst v63  }
0x3a: {  	_ = 	snop  }
0x3b: {  	[tilespmem:s15], [sflag:$0x4] =	stream.linear.gather [hbm4b:s8+s4], $0x2E80, $0x200038;
	[tilespmem:$0x1F900] =	vst v63  }
0x3c: {  	_ =	swait.ge [sflag:s16], $0x13C0  }
0x3d: {  	[sflag:s16] =	ssyncset.done $0x0  }
0x3e: {  	[sflag:s16] =	ssyncadd.s32 $0xFFFFEC40  }
0x3f: {  	_ =	swait.ge [sflag:s16], $0x13C0  }
0x40: {  	[sflag:s16] =	ssyncset.done $0x0  }
0x41: {  	[sflag:s16] =	ssyncadd.s32 $0xFFFFEC40  }
0x42: {  	_ =	swait.ge [sflag:s16], $0x2E80  }
0x43: {  	[sflag:s16] =	ssyncset.done $0x0  }
0x44: {  	[sflag:s16] =	ssyncadd.s32 $0xFFFFD180  }
0x45: {  	_ =	swait.ge [sflag:s16], $0x2E80  }
.Ltmp2:
0x46: {  	[sflag:s16] =	ssyncset.done $0x0;
	(pc) =	sbr.rel @!p0 .LBB2_2-.Ltmp2, $4  }
0x47: {  	[sflag:s16] =	ssyncadd.s32 $0xFFFFD180  }
0x48: {  	[bflag:$0x0] =	sbarrier.arrive $0xFFFF  }
0x49: {  	_ =	strace $0x90000048  }
0x4a: {  	s26 =	simm.s32 $0x0;
	_ =	strace $0x80000049  }
0x4b: {  	[tilespmem:s18], [sflag:$0x1] =	stream.indirect.gather [spmem:s2], $0x40, s26, s17, $0x2000b8;
	[tilespmem:$0x1F900] =	vst v63  }
0x4c: {  	s30 =	simm.s32 $0x80  }
0x4d: {  	[tilespmem:s19], [sflag:$0x2] =	stream.indirect.gather [spmem:s2], $0x40, s30, s17, $0x2000b8;
	[tilespmem:$0x1F900] =	vst v63  }
0x4e: {  	s31 =	simm.s32 $0x100  }
0x4f: {  	[tilespmem:s20], [sflag:$0x3] =	stream.indirect.gather [spmem:s2], $0x40, s31, s17, $0x2000b8;
	[tilespmem:$0x1F900] =	vst v63  }
0x50: {  	_ =	swait.ge [sflag:s21], $0x2000  }
0x51: {  	[sflag:s21] =	ssyncset.done $0x0  }
0x52: {  	s29 =	simm.s32 $0x2E80;
	[sflag:s21] =	ssyncadd.s32 $0xFFFFE000  }
0x53: {  	[spmem:s3] =	stream.indirect.scatter.add.f32 [tilespmem:s18], [sflag:$0x4], $0x40, s29, s17, $0x2000b8;
	[tilespmem:$0x1F900] =	vst v63  }
0x54: {  	_ =	swait.ge [sflag:s22], $0x2000  }
0x55: {  	[sflag:s22] =	ssyncset.done $0x0  }
0x56: {  	s30 =	simm.s32 $0x2F00;
	[sflag:s22] =	ssyncadd.s32 $0xFFFFE000  }
0x57: {  	[spmem:s3] =	stream.indirect.scatter.add.f32 [tilespmem:s19], [sflag:$0x4], $0x40, s30, s17, $0x2000b8;
	[tilespmem:$0x1F900] =	vst v63  }
0x58: {  	_ =	swait.ge [sflag:s23], $0x2000  }
0x59: {  	[sflag:s23] =	ssyncset.done $0x0  }
0x5a: {  	s31 =	simm.s32 $0x2F80;
	[sflag:s23] =	ssyncadd.s32 $0xFFFFE000  }
0x5b: {  	[spmem:s3] =	stream.indirect.scatter.add.f32 [tilespmem:s20], [sflag:$0x4], $0x40, s31, s17, $0x2000b8;
	[tilespmem:$0x1F900] =	vst v63  }
0x5c: {  	_ =	swait.ge [sflag:s16], $0x2000  }
0x5d: {  	[sflag:s16] =	ssyncset.done $0x0  }
0x5e: {  	[sflag:s16] =	ssyncadd.s32 $0xFFFFE000  }
0x5f: {  	_ =	swait.ge [sflag:s16], $0x2000  }
0x60: {  	[sflag:s16] =	ssyncset.done $0x0  }
0x61: {  	[sflag:s16] =	ssyncadd.s32 $0xFFFFE000  }
0x62: {  	_ =	swait.ge [sflag:s16], $0x2000  }
0x63: {  	s26 =	simm.s32 $0x600;
	s28 =	simm.s32 $0xC00;
	[sflag:s16] =	ssyncset.done $0x0  }
.LBB2_6:
0x64: {  	s29 =	sshra.s32 s26, $0x2  }
0x65: {  	[sflag:s16] =	ssyncadd.s32 $0xFFFFE000;
	s26 =	smov.u32 s28;
	s30 =	sadd.s32 $0x600, s28  }
0x66: {  	[tilespmem:s18], [sflag:$0x1] =	stream.indirect.gather [spmem:s2], $0x40, s29, s17, $0x2000b8;
	[tilespmem:$0x1F900] =	vst v63  }
0x67: {  	p1 =	sne.s32 s28, $0x8400;
	s28 =	sadd.s32 $0x80, s29  }
0x68: {  	[tilespmem:s19], [sflag:$0x2] =	stream.indirect.gather [spmem:s2], $0x40, s28, s17, $0x2000b8;
	[tilespmem:$0x1F900] =	vst v63  }
0x69: {  	s28 =	sadd.s32 $0x100, s29  }
0x6a: {  	[tilespmem:s20], [sflag:$0x3] =	stream.indirect.gather [spmem:s2], $0x40, s28, s17, $0x2000b8;
	[tilespmem:$0x1F900] =	vst v63  }
0x6b: {  	_ =	swait.ge [sflag:s21], $0x2000  }
0x6c: {  	[sflag:s21] =	ssyncset.done $0x0  }
0x6d: {  	s28 =	sadd.s32 $0x2E80, s29;
	[sflag:s21] =	ssyncadd.s32 $0xFFFFE000  }
0x6e: {  	[spmem:s3] =	stream.indirect.scatter.add.f32 [tilespmem:s18], [sflag:$0x4], $0x40, s28, s17, $0x2000b8;
	[tilespmem:$0x1F900] =	vst v63  }
0x6f: {  	_ =	swait.ge [sflag:s22], $0x2000  }
0x70: {  	[sflag:s22] =	ssyncset.done $0x0  }
0x71: {  	s28 =	sadd.s32 $0x2F00, s29;
	[sflag:s22] =	ssyncadd.s32 $0xFFFFE000  }
0x72: {  	[spmem:s3] =	stream.indirect.scatter.add.f32 [tilespmem:s19], [sflag:$0x4], $0x40, s28, s17, $0x2000b8;
	[tilespmem:$0x1F900] =	vst v63  }
0x73: {  	_ =	swait.ge [sflag:s23], $0x2000  }
0x74: {  	[sflag:s23] =	ssyncset.done $0x0  }
0x75: {  	s28 =	sadd.s32 $0x2F80, s29;
	[sflag:s23] =	ssyncadd.s32 $0xFFFFE000  }
0x76: {  	[spmem:s3] =	stream.indirect.scatter.add.f32 [tilespmem:s20], [sflag:$0x4], $0x40, s28, s17, $0x2000b8;
	[tilespmem:$0x1F900] =	vst v63  }
0x77: {  	_ =	swait.ge [sflag:s16], $0x2000  }
0x78: {  	[sflag:s16] =	ssyncset.done $0x0  }
0x79: {  	[sflag:s16] =	ssyncadd.s32 $0xFFFFE000  }
.Ltmp3:
0x7a: {  	_ =	swait.ge [sflag:s16], $0x2000;
	(pc) =	sbr.rel @p1 .LBB2_6-.Ltmp3, $4  }
0x7b: {  	[sflag:s16] =	ssyncset.done $0x0  }
0x7c: {  	[sflag:s16] =	ssyncadd.s32 $0xFFFFE000  }
0x7d: {  	_ =	swait.ge [sflag:s16], $0x2000  }
0x7e: {  	s28 =	smov.u32 s30;
	[sflag:s16] =	ssyncset.done $0x0  }
.Ltmp4:
0x7f: {  	_ = 	snop;
	(pc) =	sbr.rel .LBB2_7-.Ltmp4, $1  }
0x80: {  	_ =	sdelay $0x3  }
.LBB2_2:
0x81: {  	[tilespmem:s18], [sflag:$0x1] =	stream.indirect.gather [spmem:s2], $0x40, s26, s17, $0x2000b8;
	[tilespmem:$0x1F900] =	vst v63  }
0x82: {  	s30 =	simm.s32 $0x80  }
0x83: {  	[tilespmem:s19], [sflag:$0x2] =	stream.indirect.gather [spmem:s2], $0x40, s30, s17, $0x2000b8;
	[tilespmem:$0x1F900] =	vst v63  }
0x84: {  	s31 =	simm.s32 $0x100  }
0x85: {  	[tilespmem:s20], [sflag:$0x3] =	stream.indirect.gather [spmem:s2], $0x40, s31, s17, $0x2000b8;
	[tilespmem:$0x1F900] =	vst v63  }
0x86: {  	_ =	swait.ge [sflag:s21], $0x2000  }
0x87: {  	[sflag:s21] =	ssyncset.done $0x0  }
0x88: {  	s29 =	simm.s32 $0x2E80;
	[sflag:s21] =	ssyncadd.s32 $0xFFFFE000  }
0x89: {  	[spmem:s3] =	stream.indirect.scatter.add.f32 [tilespmem:s18], [sflag:$0x4], $0x40, s29, s17, $0x2000b8;
	[tilespmem:$0x1F900] =	vst v63  }
0x8a: {  	_ =	swait.ge [sflag:s22], $0x2000  }
0x8b: {  	[sflag:s22] =	ssyncset.done $0x0  }
0x8c: {  	s30 =	simm.s32 $0x2F00;
	[sflag:s22] =	ssyncadd.s32 $0xFFFFE000  }
0x8d: {  	[spmem:s3] =	stream.indirect.scatter.add.f32 [tilespmem:s19], [sflag:$0x4], $0x40, s30, s17, $0x2000b8;
	[tilespmem:$0x1F900] =	vst v63  }
0x8e: {  	_ =	swait.ge [sflag:s23], $0x2000  }
0x8f: {  	[sflag:s23] =	ssyncset.done $0x0  }
0x90: {  	s31 =	simm.s32 $0x2F80;
	[sflag:s23] =	ssyncadd.s32 $0xFFFFE000  }
0x91: {  	[spmem:s3] =	stream.indirect.scatter.add.f32 [tilespmem:s20], [sflag:$0x4], $0x40, s31, s17, $0x2000b8;
	[tilespmem:$0x1F900] =	vst v63  }
0x92: {  	_ =	swait.ge [sflag:s16], $0x2000  }
0x93: {  	[sflag:s16] =	ssyncset.done $0x0  }
0x94: {  	[sflag:s16] =	ssyncadd.s32 $0xFFFFE000  }
0x95: {  	_ =	swait.ge [sflag:s16], $0x2000  }
0x96: {  	[sflag:s16] =	ssyncset.done $0x0  }
0x97: {  	[sflag:s16] =	ssyncadd.s32 $0xFFFFE000  }
0x98: {  	_ =	swait.ge [sflag:s16], $0x2000  }
0x99: {  	s26 =	simm.s32 $0x600;
	s28 =	simm.s32 $0xC00;
	[sflag:s16] =	ssyncset.done $0x0  }
.LBB2_3:
0x9a: {  	s29 =	sshra.s32 s26, $0x2  }
0x9b: {  	[sflag:s16] =	ssyncadd.s32 $0xFFFFE000;
	s26 =	smov.u32 s28;
	s30 =	sadd.s32 $0x600, s28  }
0x9c: {  	[tilespmem:s18], [sflag:$0x1] =	stream.indirect.gather [spmem:s2], $0x40, s29, s17, $0x2000b8;
	[tilespmem:$0x1F900] =	vst v63  }
0x9d: {  	p1 =	seq.s32 s28, $0xB400;
	s28 =	sadd.s32 $0x80, s29  }
0x9e: {  	[tilespmem:s19], [sflag:$0x2] =	stream.indirect.gather [spmem:s2], $0x40, s28, s17, $0x2000b8;
	[tilespmem:$0x1F900] =	vst v63  }
0x9f: {  	s28 =	sadd.s32 $0x100, s29  }
0xa0: {  	[tilespmem:s20], [sflag:$0x3] =	stream.indirect.gather [spmem:s2], $0x40, s28, s17, $0x2000b8;
	[tilespmem:$0x1F900] =	vst v63  }
0xa1: {  	_ =	swait.ge [sflag:s21], $0x2000  }
0xa2: {  	[sflag:s21] =	ssyncset.done $0x0  }
0xa3: {  	s28 =	sadd.s32 $0x2E80, s29;
	[sflag:s21] =	ssyncadd.s32 $0xFFFFE000  }
0xa4: {  	[spmem:s3] =	stream.indirect.scatter.add.f32 [tilespmem:s18], [sflag:$0x4], $0x40, s28, s17, $0x2000b8;
	[tilespmem:$0x1F900] =	vst v63  }
0xa5: {  	_ =	swait.ge [sflag:s22], $0x2000  }
0xa6: {  	[sflag:s22] =	ssyncset.done $0x0  }
0xa7: {  	s28 =	sadd.s32 $0x2F00, s29;
	[sflag:s22] =	ssyncadd.s32 $0xFFFFE000  }
0xa8: {  	[spmem:s3] =	stream.indirect.scatter.add.f32 [tilespmem:s19], [sflag:$0x4], $0x40, s28, s17, $0x2000b8;
	[tilespmem:$0x1F900] =	vst v63  }
0xa9: {  	_ =	swait.ge [sflag:s23], $0x2000  }
0xaa: {  	[sflag:s23] =	ssyncset.done $0x0  }
0xab: {  	s28 =	sadd.s32 $0x2F80, s29;
	[sflag:s23] =	ssyncadd.s32 $0xFFFFE000  }
0xac: {  	[spmem:s3] =	stream.indirect.scatter.add.f32 [tilespmem:s20], [sflag:$0x4], $0x40, s28, s17, $0x2000b8;
	[tilespmem:$0x1F900] =	vst v63  }
0xad: {  	_ =	swait.ge [sflag:s16], $0x2000  }
0xae: {  	[sflag:s16] =	ssyncset.done $0x0  }
0xaf: {  	[sflag:s16] =	ssyncadd.s32 $0xFFFFE000  }
.Ltmp5:
0xb0: {  	_ =	swait.ge [sflag:s16], $0x2000;
	(pc) =	sbr.rel @!p1 .LBB2_3-.Ltmp5, $4  }
0xb1: {  	[sflag:s16] =	ssyncset.done $0x0  }
0xb2: {  	[sflag:s16] =	ssyncadd.s32 $0xFFFFE000  }
0xb3: {  	_ =	swait.ge [sflag:s16], $0x2000  }
0xb4: {  	s28 =	smov.u32 s30;
	[sflag:s16] =	ssyncset.done $0x0  }
0xb5: {  	s26 =	sshra.s32 s26, $0x2;
	[sflag:s16] =	ssyncadd.s32 $0xFFFFE000  }
0xb6: {  	[tilespmem:s18], [sflag:$0x1] =	stream.indirect.gather [spmem:s2], $0x40, s26, s17, $0x2000b8;
	[tilespmem:$0x1F900] =	vst v63  }
0xb7: {  	s28 =	sadd.s32 $0x80, s26  }
0xb8: {  	[tilespmem:s19], [sflag:$0x2] =	stream.indirect.gather [spmem:s2], $0x40, s28, s17, $0x2000b8;
	[tilespmem:$0x1F900] =	vst v63  }
0xb9: {  	s29 =	sadd.s32 $0x100, s26  }
0xba: {  	[tilespmem:s20], [sflag:$0x3] =	stream.indirect.gather [spmem:s2], $0x40, s29, s17, $0x2000b8;
	[tilespmem:$0x1F900] =	vst v63  }
0xbb: {  	_ =	swait.ge [sflag:s21], $0x2000  }
0xbc: {  	[sflag:s21] =	ssyncset.done $0x0  }
0xbd: {  	s30 =	sadd.s32 $0x2E80, s26;
	[sflag:s21] =	ssyncadd.s32 $0xFFFFE000  }
0xbe: {  	[spmem:s3] =	stream.indirect.scatter.add.f32 [tilespmem:s18], [sflag:$0x4], $0x40, s30, s17, $0x2000b8;
	[tilespmem:$0x1F900] =	vst v63  }
0xbf: {  	_ =	swait.ge [sflag:s22], $0x2000  }
0xc0: {  	[sflag:s22] =	ssyncset.done $0x0  }
0xc1: {  	s31 =	sadd.s32 $0x2F00, s26;
	[sflag:s22] =	ssyncadd.s32 $0xFFFFE000  }
0xc2: {  	[spmem:s3] =	stream.indirect.scatter.add.f32 [tilespmem:s19], [sflag:$0x4], $0x40, s31, s17, $0x2000b8;
	[tilespmem:$0x1F900] =	vst v63  }
0xc3: {  	_ =	swait.ge [sflag:s23], $0x2000  }
0xc4: {  	[sflag:s23] =	ssyncset.done $0x0  }
0xc5: {  	s26 =	sadd.s32 $0x2F80, s26;
	[sflag:s23] =	ssyncadd.s32 $0xFFFFE000  }
0xc6: {  	[spmem:s3] =	stream.indirect.scatter.add.f32 [tilespmem:s20], [sflag:$0x4], $0x40, s26, s17, $0x2000b8;
	[tilespmem:$0x1F900] =	vst v63  }
0xc7: {  	_ =	swait.ge [sflag:s16], $0x2000  }
0xc8: {  	[sflag:s16] =	ssyncset.done $0x0  }
0xc9: {  	[sflag:s16] =	ssyncadd.s32 $0xFFFFE000  }
0xca: {  	_ =	swait.ge [sflag:s16], $0x2000  }
.Ltmp6:
0xcb: {  	[sflag:s16] =	ssyncset.done $0x0;
	(pc) =	sbr.rel .LBB2_8-.Ltmp6, $4  }
0xcc: {  	[sflag:s16] =	ssyncadd.s32 $0xFFFFE000  }
0xcd: {  	_ =	swait.ge [sflag:s16], $0x2000  }
0xce: {  	[sflag:s16] =	ssyncset.done $0x0  }
0xcf: {  	[sflag:s16] =	ssyncadd.s32 $0xFFFFE000  }
.LBB2_9:
0xd0: {  	_ =	sfence.sel $0x180000  }
0xd1: {  	[bflag:$0x0] =	sbarrier.arrive $0xFFFF  }
0xd2: {  	p0 =	sne.s32 s0, $0x0;
	_ =	strace $0x90000047  }
0xd3: {  	s0 =	sadd.s32 @!p0 $0x100000, s1;
	[bflag:$0x2] =	sbarrier.arrive $0xFFFF  }
0xd4: {  	[sflag:s0] =	ssyncadd.tile.s32 @!p0 $0x1;
	_ =	shalt  }
.Lfunc_end2:
_tile_overlayer_lowered:
.L_overlay_start_2:
0xd5: {  	(tag) =	ssettag $0x2  }
0xd6: {  	s0 =	rddreg [dreg:$0x0];
	s2 =	stileid.u32  }
0xd7: {  	s1 =	rddreg [dreg:$0x1];
	p0 =	sne.s32 s2, $0x0  }
0xd8: {  	s3 =	rddreg [dreg:$0x2];
	[bflag:$0x3] =	sbarrier.arrive $0xFFFF;
	s2 =	simm.s32 @!p0 $0x1C05  }
0xd9: {  	[timem:s3], [sflag:s2] =	dma.local @!p0 [hbm:s0], s1  }
0xda: {  	s0 =	simm.s32 @!p0 $0x5  }
0xdb: {  	_ =	swait.ge @!p0 [sflag:s0], s1  }
0xdc: {  	s1 =	ssub.s32 @!p0 $0x0, s1;
	[sflag:s0] =	ssyncset.done @!p0 $0x0  }
0xdd: {  	[sflag:s0] =	ssyncadd.s32 @!p0 s1  }
0xde: {  	[bflag:$0x3] =	sbarrier.arrive $0xFFFF  }
0xdf: {  	_ =	shalt  }

</sc_bundles>
